<compile_context>
chip_gen: v7x
topology: tpu7x:2x2x1
jax: 0.10.2.dev20260603
libtpu: 0.0.44.dev20260713+nightly
codegen_flags: <defaults>
</compile_context>

<pallas_src>
import functools

import jax
import jax.numpy as jnp
from jax import lax
from jax.experimental import pallas as pl
from jax.experimental.pallas import tpu as pltpu
from jax.experimental.pallas import tpu_sc as plsc

N = 10000
E = 320000
P = 8192
D_IN, D_HID, D_OUT = 128, 16, 128

NC, NS = 2, 16
NW = NC * NS
CB = 128
KB = 4
CH = 80
EPT = CH * CB
EP = NW * EPT
ACC_ROWS = 10112
STRIPE = ACC_ROWS // NS
PC = 4
PB = PC * CB

_f32 = jnp.float32
_i32 = jnp.int32


def _mesh():
    return plsc.VectorSubcoreMesh(
        core_axis_name="c", subcore_axis_name="s",
        num_cores=NC, num_subcores=NS)



@functools.cache
def _get_sc_deg():
    return pl.kernel(
        _sc_deg_body,
        out_type=jax.ShapeDtypeStruct((NC, ACC_ROWS, 8), _f32),
        mesh=_mesh(),
        compiler_params=pltpu.CompilerParams(use_tc_tiling_on_sc=False),
        scratch_types=[
            pltpu.VMEM((CH, CB), _i32),
            pltpu.VMEM((CB, 8), _f32),
            pltpu.VMEM_SHARED((ACC_ROWS, 8), _f32),
        ],
    )


def _sc_deg_body(dst_hbm, ones_hbm, zeros_hbm, out_hbm, dst_v, ones_v, acc):
    c = lax.axis_index("c")
    s = lax.axis_index("s")
    wid = s * NC + c
    pltpu.sync_copy(zeros_hbm.at[pl.ds(s * STRIPE, STRIPE)],
                    acc.at[pl.ds(s * STRIPE, STRIPE)])
    pltpu.sync_copy(dst_hbm.at[wid], dst_v)
    pltpu.sync_copy(ones_hbm, ones_v)
    plsc.subcore_barrier()

    def body(j, carry):
        pltpu.sync_copy(ones_v, acc.at[dst_v.at[j]], add=True)
        return carry

    lax.fori_loop(0, CH, body, 0)
    plsc.subcore_barrier()
    pltpu.sync_copy(acc.at[pl.ds(s * STRIPE, STRIPE)],
                    out_hbm.at[c, pl.ds(s * STRIPE, STRIPE)])


@functools.cache
def _get_sc_agg():
    return pl.kernel(
        _sc_agg_body,
        out_type=jax.ShapeDtypeStruct((NC, ACC_ROWS, 16), _f32),
        mesh=_mesh(),
        compiler_params=pltpu.CompilerParams(use_tc_tiling_on_sc=False),
        scratch_types=[
            pltpu.VMEM((CH, CB), _i32),
            pltpu.VMEM((CH, CB), _i32),
            pltpu.VMEM((KB, CB, 16), _f32),
            pltpu.VMEM_SHARED((ACC_ROWS, 16), _f32),
            pltpu.VMEM_SHARED((ACC_ROWS, 16), _f32),
        ] + [pltpu.SemaphoreType.DMA] * KB,
    )


def _sc_agg_body(g_hbm, src_hbm, dst_hbm, zeros_hbm, out_hbm,
                 src_v, dst_v, rows_v, acc, gs, *sems):
    c = lax.axis_index("c")
    s = lax.axis_index("s")
    wid = s * NC + c
    pltpu.sync_copy(zeros_hbm.at[pl.ds(s * STRIPE, STRIPE)],
                    acc.at[pl.ds(s * STRIPE, STRIPE)])
    pltpu.sync_copy(g_hbm.at[pl.ds(s * STRIPE, STRIPE)],
                    gs.at[pl.ds(s * STRIPE, STRIPE)])
    pltpu.sync_copy(src_hbm.at[wid], src_v)
    pltpu.sync_copy(dst_hbm.at[wid], dst_v)
    plsc.subcore_barrier()

    def group(gi, carry):
        base = gi * KB
        cps = [pltpu.async_copy(gs.at[src_v.at[base + t]], rows_v.at[t],
                                sems[t]) for t in range(KB)]
        for t in range(KB):
            cps[t].wait()
            pltpu.sync_copy(rows_v.at[t], acc.at[dst_v.at[base + t]], add=True)
        return carry

    lax.fori_loop(0, CH // KB, group, 0)
    plsc.subcore_barrier()
    pltpu.sync_copy(acc.at[pl.ds(s * STRIPE, STRIPE)],
                    out_hbm.at[c, pl.ds(s * STRIPE, STRIPE)])


@functools.cache
def _get_sc_pair_gather():
    return pl.kernel(
        _sc_pair_gather_body,
        out_type=jax.ShapeDtypeStruct((2 * P, 16), _f32),
        mesh=_mesh(),
        compiler_params=pltpu.CompilerParams(use_tc_tiling_on_sc=False),
        scratch_types=[
            pltpu.VMEM((PC, CB), _i32),
            pltpu.VMEM((PB, 16), _f32),
            pltpu.SemaphoreType.DMA,
        ],
    )


def _sc_pair_gather_body(u_hbm, pidx_hbm, out_hbm, idx_v, rows_v, sem):
    c = lax.axis_index("c")
    s = lax.axis_index("s")
    wid = s * NC + c
    pltpu.sync_copy(pidx_hbm.at[wid], idx_v)
    for j in range(PC):
        pltpu.async_copy(u_hbm.at[idx_v.at[j]],
                         rows_v.at[pl.ds(j * CB, CB)], sem).wait()
    pltpu.sync_copy(rows_v, out_hbm.at[pl.ds(wid * PB, PB)])



def _tc_prep_body(degp_ref, x_ref, w1_ref, dinv_ref, g1_ref):
    deg = degp_ref[0, :N, :] + degp_ref[1, :N, :] + 1.0
    dinv8 = lax.rsqrt(deg)
    dinv = jnp.concatenate([dinv8, dinv8], axis=1)
    dinv_ref[...] = dinv
    h = jnp.dot(x_ref[...], w1_ref[...], preferred_element_type=_f32)
    g1_ref[...] = h * dinv


_tc_prep = pl.pallas_call(
    _tc_prep_body,
    out_shape=[jax.ShapeDtypeStruct((N, 16), _f32),
               jax.ShapeDtypeStruct((N, 16), _f32)],
)


def _tc_mid_body(p_ref, g1_ref, dinv_ref, b1_ref, g2_ref):
    agg = p_ref[0, :N, :] + p_ref[1, :N, :] + g1_ref[...]
    hr = jnp.maximum(dinv_ref[...] * agg + b1_ref[...], 0.0)
    g2_ref[...] = dinv_ref[...] * hr


_tc_mid = pl.pallas_call(
    _tc_mid_body,
    out_shape=jax.ShapeDtypeStruct((N, 16), _f32),
)


def _tc_u_body(q_ref, g2_ref, dinv_ref, u_ref):
    agg = q_ref[0, :N, :] + q_ref[1, :N, :] + g2_ref[...]
    u_ref[...] = dinv_ref[...] * agg


_tc_u = pl.pallas_call(
    _tc_u_body,
    out_shape=jax.ShapeDtypeStruct((N, 16), _f32),
)


def _tc_head_body(ua_ref, ub_ref, w2_ref, b2_ref, lab_ref, logit_ref, loss_ref):
    a = jnp.dot(ua_ref[...], w2_ref[...], preferred_element_type=_f32) + b2_ref[...]
    b = jnp.dot(ub_ref[...], w2_ref[...], preferred_element_type=_f32) + b2_ref[...]
    an = jnp.sqrt(jnp.sum(a * a, axis=1, keepdims=True))
    bn = jnp.sqrt(jnp.sum(b * b, axis=1, keepdims=True))
    d = jnp.sum(a * b, axis=1, keepdims=True)
    eps = 1e-8
    cos = d / (jnp.maximum(an, eps) * jnp.maximum(bn, eps))
    logit_ref[...] = (cos + 1.0) * 0.5
    y = lab_ref[...].astype(_f32) * 2.0 - 1.0
    lv = jnp.where(y > 0, 1.0 - cos, jnp.maximum(cos, 0.0))
    loss_ref[...] = jnp.sum(lv, axis=0, keepdims=True) * (1.0 / P)


_tc_head = pl.pallas_call(
    _tc_head_body,
    out_shape=[jax.ShapeDtypeStruct((P, 1), _f32),
               jax.ShapeDtypeStruct((1, 1), _f32)],
)



def kernel(x, edge_index, a_idx, b_idx, labels, W1, b1, W2, b2):
    src = edge_index[0].astype(_i32)
    dst = edge_index[1].astype(_i32)
    pad = EP - E
    srcp = jnp.concatenate([src, jnp.zeros((pad,), _i32)]).reshape(NW, CH, CB)
    dstp = jnp.concatenate([dst, jnp.full((pad,), N, _i32)]).reshape(NW, CH, CB)
    zeros = jnp.zeros((ACC_ROWS, 16), _f32)
    zeros8 = jnp.zeros((ACC_ROWS, 8), _f32)
    ones8 = jnp.ones((CB, 8), _f32)

    sc_deg, sc_agg, sc_pg = _get_sc_deg(), _get_sc_agg(), _get_sc_pair_gather()
    deg_p = sc_deg(dstp, ones8, zeros8)
    dinv16, g1 = _tc_prep(deg_p, x, W1)
    gpad = ((0, ACC_ROWS - N), (0, 0))
    p1 = sc_agg(jnp.pad(g1, gpad), srcp, dstp, zeros)
    g2 = _tc_mid(p1, g1, dinv16, b1.reshape(1, 16))
    p2 = sc_agg(jnp.pad(g2, gpad), srcp, dstp, zeros)
    u = _tc_u(p2, g2, dinv16)

    pidx = jnp.concatenate([a_idx.astype(_i32), b_idx.astype(_i32)]
                           ).reshape(NW, PC, CB)
    rows = sc_pg(u, pidx)
    logits, loss = _tc_head(rows[:P], rows[P:], W2, b2.reshape(1, D_OUT),
                            labels.reshape(P, 1))
    return logits, loss[0, 0]

# --- scband reference (transcript-rebuilt; emitter-appended) ---
"""Pipeline reference for scband-gcnbi-encoder-44504451121585 (READ-ONLY COPY).

The authoritative reference and input builder live on the scoring server;
editing this copy changes nothing except your own understanding.
"""

import jax, jax.numpy as jnp
import numpy as np


def _gcn_conv(x, src, dst, W, b):
    # PyG-style GCNConv: add self-loops, symmetric degree normalization,
    # linear transform then scatter-add aggregation from src -> dst.
    n = x.shape[0]
    h = x @ W
    loop = jnp.arange(n, dtype=src.dtype)
    src_a = jnp.concatenate([src, loop])
    dst_a = jnp.concatenate([dst, loop])
    ones = jnp.ones(src_a.shape[0], dtype=h.dtype)
    deg = jnp.zeros((n,), dtype=h.dtype).at[dst_a].add(ones)
    dinv = jnp.where(deg > 0, 1.0 / jnp.sqrt(deg), 0.0)
    norm = dinv[src_a] * dinv[dst_a]
    msg = h[src_a] * norm[:, None]
    out = jnp.zeros_like(h).at[dst_a].add(msg)
    return out + b


def setup_inputs(seed: int = 0) -> dict:
    key = jax.random.key(seed)
    ks = jax.random.split(key, 10)
    N, E, P = 10000, 320000, 8192
    D_in, D_hid, D_out = 128, 16, 128
    x = jax.random.normal(ks[0], (N, D_in), dtype=jnp.float32)
    edge_index = jax.random.randint(ks[1], (2, E), 0, N)
    a_idx = jax.random.randint(ks[2], (P,), 0, N)
    b_idx = jax.random.randint(ks[3], (P,), 0, N)
    labels = jax.random.randint(ks[4], (P,), 0, 2)
    W1 = jax.random.normal(ks[5], (D_in, D_hid), dtype=jnp.float32) * (1.0 / np.sqrt(D_in))
    b1 = jnp.zeros((D_hid,), dtype=jnp.float32)
    W2 = jax.random.normal(ks[6], (D_hid, D_out), dtype=jnp.float32) * (1.0 / np.sqrt(D_hid))
    b2 = jnp.zeros((D_out,), dtype=jnp.float32)
    return {"x": x, "edge_index": edge_index, "a_idx": a_idx, "b_idx": b_idx,
            "labels": labels, "W1": W1, "b1": b1, "W2": W2, "b2": b2}


def reference(x, edge_index, a_idx, b_idx, labels, W1, b1, W2, b2):
    src, dst = edge_index[0], edge_index[1]
    h = _gcn_conv(x, src, dst, W1, b1)
    h = jax.nn.relu(h)
    h = _gcn_conv(h, src, dst, W2, b2)
    a = h[a_idx]
    b_ = h[b_idx]
    eps = 1e-8
    an = jnp.sqrt(jnp.sum(a * a, axis=1))
    bn = jnp.sqrt(jnp.sum(b_ * b_, axis=1))
    cos = jnp.sum(a * b_, axis=1) / (jnp.maximum(an, eps) * jnp.maximum(bn, eps))
    logits = ((cos + 1.0) / 2.0)[:, None]
    # CosineEmbeddingLoss with margin=0, mean reduction; y = labels*2-1
    y = labels.astype(jnp.float32) * 2.0 - 1.0
    loss = jnp.mean(jnp.where(y > 0, 1.0 - cos, jnp.maximum(cos, 0.0)))
    return logits, loss

if __name__ == "__main__":
    import jax
    _d = setup_inputs()
    print(jax.jit(kernel)(*tuple(_d.values())))

</pallas_src>

<mosaic_0001>
#map = affine_map<(d0, d1) -> (0, 0, 0)>
#map1 = affine_map<(d0, d1) -> (0, 0)>
module attributes {stable_mosaic.version = 14 : i64} {
  func.func @_sc_deg_body(%arg0: i32, %arg1: i32, %arg2: memref<32x80x128xi32, #tpu.memory_space<hbm>>, %arg3: memref<128x8xf32, #tpu.memory_space<hbm>>, %arg4: memref<10112x8xf32, #tpu.memory_space<hbm>>, %arg5: memref<2x10112x8xf32, #tpu.memory_space<hbm>>, %arg6: memref<80x128xi32, #tpu.memory_space<vmem>>, %arg7: memref<128x8xf32, #tpu.memory_space<vmem>>, %arg8: memref<10112x8xf32, #tpu.memory_space<vmem_shared>>) attributes {dimension_semantics = [#tpu.dimension_semantics<core_parallel>, #tpu.dimension_semantics<subcore_parallel>], iteration_bounds = array<i64: 2, 16>, scalar_prefetch = 0 : i64, scratch_operands = 3 : i64, tpu.core_type = #tpu.core_type<sc_vector_subcore>, window_params = [{transform_indices = #map}, {transform_indices = #map1}, {transform_indices = #map1}, {transform_indices = #map}]} {
    %mul3A = arith.constant 2 : i32
    %mul3A_0 = arith.muli %arg1, %mul3A : i32
    %add3A = arith.addi %mul3A_0, %arg0 : i32
    %mul3A_1 = arith.constant 632 : i32
    %mul3A_2 = arith.muli %arg1, %mul3A_1 : i32
    %mul3A_3 = arith.constant 632 : i32
    %mul3A_4 = arith.muli %arg1, %mul3A_3 : i32
    "tpu.region"() ({
      %run_scoped3A = tpu.sem_alloc : memref<!tpu.dma_semaphore, #tpu.memory_space<semaphore_mem>>
      %dma_start3A = arith.constant 0 : i32
      %dma_start3A_15 = tpu.memref_slice %arg8[%mul3A_4, %dma_start3A] : memref<10112x8xf32, #tpu.memory_space<vmem_shared>> -> memref<632x8xf32, #tpu.memory_space<vmem_shared>>
      %dma_start3A_16 = arith.constant 0 : i32
      %dma_start3A_17 = tpu.memref_slice %arg4[%mul3A_2, %dma_start3A_16] : memref<10112x8xf32, #tpu.memory_space<hbm>> -> memref<632x8xf32, #tpu.memory_space<hbm>>
      tpu.enqueue_dma source(%dma_start3A_17 : memref<632x8xf32, #tpu.memory_space<hbm>>) target(%dma_start3A_15 : memref<632x8xf32, #tpu.memory_space<vmem_shared>>) target_semaphore(%run_scoped3A : memref<!tpu.dma_semaphore, #tpu.memory_space<semaphore_mem>>)
      %dma_wait3A = arith.constant 0 : i32
      %dma_wait3A_18 = tpu.memref_slice %arg8[%mul3A_4, %dma_wait3A] : memref<10112x8xf32, #tpu.memory_space<vmem_shared>> -> memref<632x8xf32, #tpu.memory_space<vmem_shared>>
      %dma_wait3A_19 = arith.constant 0 : i32
      %dma_wait3A_20 = tpu.memref_slice %arg4[%mul3A_2, %dma_wait3A_19] : memref<10112x8xf32, #tpu.memory_space<hbm>> -> memref<632x8xf32, #tpu.memory_space<hbm>>
      tpu.wait_dma2 semaphore(%run_scoped3A : memref<!tpu.dma_semaphore, #tpu.memory_space<semaphore_mem>>) src(%dma_wait3A_20 : memref<632x8xf32, #tpu.memory_space<hbm>>) dst(%dma_wait3A_18 : memref<632x8xf32, #tpu.memory_space<vmem_shared>>)
      tpu.yield
    }) : () -> ()
    "tpu.region"() ({
      %run_scoped3A = tpu.sem_alloc : memref<!tpu.dma_semaphore, #tpu.memory_space<semaphore_mem>>
      %dma_start3A = arith.constant 0 : i32
      %dma_start3A_15 = arith.constant 0 : i32
      %dma_start3A_16 = tpu.memref_slice %arg2[%add3A, %dma_start3A, %dma_start3A_15] : memref<32x80x128xi32, #tpu.memory_space<hbm>> -> memref<1x80x128xi32, #tpu.memory_space<hbm>>
      %dma_start3A_17 = tpu.memref_squeeze %dma_start3A_16 : memref<1x80x128xi32, #tpu.memory_space<hbm>> -> memref<80x128xi32, #tpu.memory_space<hbm>>
      %dma_start3A_18 = arith.constant 0 : i32
      %dma_start3A_19 = arith.constant 0 : i32
      %dma_start3A_20 = tpu.memref_slice %arg2[%add3A, %dma_start3A_18, %dma_start3A_19] : memref<32x80x128xi32, #tpu.memory_space<hbm>> -> memref<1x80x128xi32, #tpu.memory_space<hbm>>
      %dma_start3A_21 = tpu.memref_squeeze %dma_start3A_20 : memref<1x80x128xi32, #tpu.memory_space<hbm>> -> memref<80x128xi32, #tpu.memory_space<hbm>>
      tpu.enqueue_dma source(%dma_start3A_21 : memref<80x128xi32, #tpu.memory_space<hbm>>) target(%arg6 : memref<80x128xi32, #tpu.memory_space<vmem>>) target_semaphore(%run_scoped3A : memref<!tpu.dma_semaphore, #tpu.memory_space<semaphore_mem>>)
      %dma_wait3A = arith.constant 0 : i32
      %dma_wait3A_22 = arith.constant 0 : i32
      %dma_wait3A_23 = tpu.memref_slice %arg2[%add3A, %dma_wait3A, %dma_wait3A_22] : memref<32x80x128xi32, #tpu.memory_space<hbm>> -> memref<1x80x128xi32, #tpu.memory_space<hbm>>
      %dma_wait3A_24 = tpu.memref_squeeze %dma_wait3A_23 : memref<1x80x128xi32, #tpu.memory_space<hbm>> -> memref<80x128xi32, #tpu.memory_space<hbm>>
      %dma_wait3A_25 = arith.constant 0 : i32
      %dma_wait3A_26 = arith.constant 0 : i32
      %dma_wait3A_27 = tpu.memref_slice %arg2[%add3A, %dma_wait3A_25, %dma_wait3A_26] : memref<32x80x128xi32, #tpu.memory_space<hbm>> -> memref<1x80x128xi32, #tpu.memory_space<hbm>>
      %dma_wait3A_28 = tpu.memref_squeeze %dma_wait3A_27 : memref<1x80x128xi32, #tpu.memory_space<hbm>> -> memref<80x128xi32, #tpu.memory_space<hbm>>
      tpu.wait_dma2 semaphore(%run_scoped3A : memref<!tpu.dma_semaphore, #tpu.memory_space<semaphore_mem>>) src(%dma_wait3A_28 : memref<80x128xi32, #tpu.memory_space<hbm>>) dst(%arg6 : memref<80x128xi32, #tpu.memory_space<vmem>>)
      tpu.yield
    }) : () -> ()
    "tpu.region"() ({
      %run_scoped3A = tpu.sem_alloc : memref<!tpu.dma_semaphore, #tpu.memory_space<semaphore_mem>>
      tpu.enqueue_dma source(%arg3 : memref<128x8xf32, #tpu.memory_space<hbm>>) target(%arg7 : memref<128x8xf32, #tpu.memory_space<vmem>>) target_semaphore(%run_scoped3A : memref<!tpu.dma_semaphore, #tpu.memory_space<semaphore_mem>>)
      tpu.wait_dma2 semaphore(%run_scoped3A : memref<!tpu.dma_semaphore, #tpu.memory_space<semaphore_mem>>) src(%arg3 : memref<128x8xf32, #tpu.memory_space<hbm>>) dst(%arg7 : memref<128x8xf32, #tpu.memory_space<vmem>>)
      tpu.yield
    }) : () -> ()
    %barrier3A = arith.constant 0 : index
    tpu.barrier barrier_id(%barrier3A)
    %scan3A = arith.constant 0 : i32
    %scan3A_5 = arith.constant 0 : i32
    %scan3A_6 = arith.constant 80 : i32
    %scan3A_7 = arith.addi %scan3A_5, %scan3A_6 : i32
    %scan3A_8 = arith.constant 1 : i32
    scf.for %scan3A_15 = %scan3A_5 to %scan3A_7 step %scan3A_8  : i32 {
      "tpu.region"() ({
        %run_scoped3A = tpu.sem_alloc : memref<!tpu.dma_semaphore, #tpu.memory_space<semaphore_mem>>
        %dma_start3A = arith.constant 0 : i32
        %dma_start3A_16 = tpu.memref_slice %arg6[%scan3A_15, %dma_start3A] : memref<80x128xi32, #tpu.memory_space<vmem>> -> memref<1x128xi32, #tpu.memory_space<vmem>>
        %dma_start3A_17 = tpu.memref_squeeze %dma_start3A_16 : memref<1x128xi32, #tpu.memory_space<vmem>> -> memref<128xi32, #tpu.memory_space<vmem>>
        %dma_start3A_18 = arith.constant 0 : i32
        %dma_start3A_19 = arith.constant 0 : i32
        %dma_start3A_20 = tpu.memref_slice %arg8[%dma_start3A_18, %dma_start3A_19] : memref<10112x8xf32, #tpu.memory_space<vmem_shared>> -> memref<10112x8xf32, #tpu.memory_space<vmem_shared>>
        tpu.enqueue_indirect_dma source(%arg7 : memref<128x8xf32, #tpu.memory_space<vmem>>) target(%dma_start3A_20 : memref<10112x8xf32, #tpu.memory_space<vmem_shared>>) offsets(%dma_start3A_17 : memref<128xi32, #tpu.memory_space<vmem>>) semaphore(%run_scoped3A : memref<!tpu.dma_semaphore, #tpu.memory_space<semaphore_mem>>) {add = true}
        %dma_wait3A = arith.constant 0 : i32
        %dma_wait3A_21 = tpu.memref_slice %arg6[%scan3A_15, %dma_wait3A] : memref<80x128xi32, #tpu.memory_space<vmem>> -> memref<1x128xi32, #tpu.memory_space<vmem>>
        %dma_wait3A_22 = tpu.memref_squeeze %dma_wait3A_21 : memref<1x128xi32, #tpu.memory_space<vmem>> -> memref<128xi32, #tpu.memory_space<vmem>>
        %dma_wait3A_23 = arith.constant 0 : i32
        %dma_wait3A_24 = arith.constant 0 : i32
        %dma_wait3A_25 = tpu.memref_slice %arg8[%dma_wait3A_23, %dma_wait3A_24] : memref<10112x8xf32, #tpu.memory_space<vmem_shared>> -> memref<10112x8xf32, #tpu.memory_space<vmem_shared>>
        tpu.wait_indirect_dma semaphore(%run_scoped3A : memref<!tpu.dma_semaphore, #tpu.memory_space<semaphore_mem>>) src(%arg7 : memref<128x8xf32, #tpu.memory_space<vmem>>) dst(%dma_wait3A_25 : memref<10112x8xf32, #tpu.memory_space<vmem_shared>>)
        tpu.yield
      }) : () -> ()
    }
    %scan3A_9 = arith.constant 80 : i32
    %barrier3A_10 = arith.constant 0 : index
    tpu.barrier barrier_id(%barrier3A_10)
    %mul3A_11 = arith.constant 632 : i32
    %mul3A_12 = arith.muli %arg1, %mul3A_11 : i32
    %mul3A_13 = arith.constant 632 : i32
    %mul3A_14 = arith.muli %arg1, %mul3A_13 : i32
    "tpu.region"() ({
      %run_scoped3A = tpu.sem_alloc : memref<!tpu.dma_semaphore, #tpu.memory_space<semaphore_mem>>
      %dma_start3A = arith.constant 0 : i32
      %dma_start3A_15 = tpu.memref_slice %arg5[%arg0, %mul3A_14, %dma_start3A] : memref<2x10112x8xf32, #tpu.memory_space<hbm>> -> memref<1x632x8xf32, #tpu.memory_space<hbm>>
      %dma_start3A_16 = tpu.memref_squeeze %dma_start3A_15 : memref<1x632x8xf32, #tpu.memory_space<hbm>> -> memref<632x8xf32, #tpu.memory_space<hbm>>
      %dma_start3A_17 = arith.constant 0 : i32
      %dma_start3A_18 = tpu.memref_slice %arg8[%mul3A_12, %dma_start3A_17] : memref<10112x8xf32, #tpu.memory_space<vmem_shared>> -> memref<632x8xf32, #tpu.memory_space<vmem_shared>>
      tpu.enqueue_dma source(%dma_start3A_18 : memref<632x8xf32, #tpu.memory_space<vmem_shared>>) target(%dma_start3A_16 : memref<632x8xf32, #tpu.memory_space<hbm>>) target_semaphore(%run_scoped3A : memref<!tpu.dma_semaphore, #tpu.memory_space<semaphore_mem>>)
      %dma_wait3A = arith.constant 0 : i32
      %dma_wait3A_19 = tpu.memref_slice %arg5[%arg0, %mul3A_14, %dma_wait3A] : memref<2x10112x8xf32, #tpu.memory_space<hbm>> -> memref<1x632x8xf32, #tpu.memory_space<hbm>>
      %dma_wait3A_20 = tpu.memref_squeeze %dma_wait3A_19 : memref<1x632x8xf32, #tpu.memory_space<hbm>> -> memref<632x8xf32, #tpu.memory_space<hbm>>
      %dma_wait3A_21 = arith.constant 0 : i32
      %dma_wait3A_22 = tpu.memref_slice %arg8[%mul3A_12, %dma_wait3A_21] : memref<10112x8xf32, #tpu.memory_space<vmem_shared>> -> memref<632x8xf32, #tpu.memory_space<vmem_shared>>
      tpu.wait_dma2 semaphore(%run_scoped3A : memref<!tpu.dma_semaphore, #tpu.memory_space<semaphore_mem>>) src(%dma_wait3A_22 : memref<632x8xf32, #tpu.memory_space<vmem_shared>>) dst(%dma_wait3A_20 : memref<632x8xf32, #tpu.memory_space<hbm>>)
      tpu.yield
    }) : () -> ()
    return
  }
}

#map = affine_map<(d0, d1) -> (0, 0)>
#map1 = affine_map<(d0, d1) -> (0, 0, 0)>
module attributes {stable_mosaic.version = 14 : i64} {
  func.func @_sc_agg_body(%arg0: i32, %arg1: i32, %arg2: memref<10112x16xf32, #tpu.memory_space<hbm>>, %arg3: memref<32x80x128xi32, #tpu.memory_space<hbm>>, %arg4: memref<32x80x128xi32, #tpu.memory_space<hbm>>, %arg5: memref<10112x16xf32, #tpu.memory_space<hbm>>, %arg6: memref<2x10112x16xf32, #tpu.memory_space<hbm>>, %arg7: memref<80x128xi32, #tpu.memory_space<vmem>>, %arg8: memref<80x128xi32, #tpu.memory_space<vmem>>, %arg9: memref<4x128x16xf32, #tpu.memory_space<vmem>>, %arg10: memref<10112x16xf32, #tpu.memory_space<vmem_shared>>, %arg11: memref<10112x16xf32, #tpu.memory_space<vmem_shared>>, %arg12: memref<!tpu.dma_semaphore, #tpu.memory_space<semaphore_mem>>, %arg13: memref<!tpu.dma_semaphore, #tpu.memory_space<semaphore_mem>>, %arg14: memref<!tpu.dma_semaphore, #tpu.memory_space<semaphore_mem>>, %arg15: memref<!tpu.dma_semaphore, #tpu.memory_space<semaphore_mem>>) attributes {dimension_semantics = [#tpu.dimension_semantics<core_parallel>, #tpu.dimension_semantics<subcore_parallel>], iteration_bounds = array<i64: 2, 16>, scalar_prefetch = 0 : i64, scratch_operands = 9 : i64, tpu.core_type = #tpu.core_type<sc_vector_subcore>, window_params = [{transform_indices = #map}, {transform_indices = #map1}, {transform_indices = #map1}, {transform_indices = #map}, {transform_indices = #map1}]} {
    %mul3A = arith.constant 2 : i32
    %mul3A_0 = arith.muli %arg1, %mul3A : i32
    %add3A = arith.addi %mul3A_0, %arg0 : i32
    %mul3A_1 = arith.constant 632 : i32
    %mul3A_2 = arith.muli %arg1, %mul3A_1 : i32
    %mul3A_3 = arith.constant 632 : i32
    %mul3A_4 = arith.muli %arg1, %mul3A_3 : i32
    "tpu.region"() ({
      %run_scoped3A = tpu.sem_alloc : memref<!tpu.dma_semaphore, #tpu.memory_space<semaphore_mem>>
      %dma_start3A = arith.constant 0 : i32
      %dma_start3A_19 = tpu.memref_slice %arg10[%mul3A_4, %dma_start3A] : memref<10112x16xf32, #tpu.memory_space<vmem_shared>> -> memref<632x16xf32, #tpu.memory_space<vmem_shared>>
      %dma_start3A_20 = arith.constant 0 : i32
      %dma_start3A_21 = tpu.memref_slice %arg5[%mul3A_2, %dma_start3A_20] : memref<10112x16xf32, #tpu.memory_space<hbm>> -> memref<632x16xf32, #tpu.memory_space<hbm>>
      tpu.enqueue_dma source(%dma_start3A_21 : memref<632x16xf32, #tpu.memory_space<hbm>>) target(%dma_start3A_19 : memref<632x16xf32, #tpu.memory_space<vmem_shared>>) target_semaphore(%run_scoped3A : memref<!tpu.dma_semaphore, #tpu.memory_space<semaphore_mem>>)
      %dma_wait3A = arith.constant 0 : i32
      %dma_wait3A_22 = tpu.memref_slice %arg10[%mul3A_4, %dma_wait3A] : memref<10112x16xf32, #tpu.memory_space<vmem_shared>> -> memref<632x16xf32, #tpu.memory_space<vmem_shared>>
      %dma_wait3A_23 = arith.constant 0 : i32
      %dma_wait3A_24 = tpu.memref_slice %arg5[%mul3A_2, %dma_wait3A_23] : memref<10112x16xf32, #tpu.memory_space<hbm>> -> memref<632x16xf32, #tpu.memory_space<hbm>>
      tpu.wait_dma2 semaphore(%run_scoped3A : memref<!tpu.dma_semaphore, #tpu.memory_space<semaphore_mem>>) src(%dma_wait3A_24 : memref<632x16xf32, #tpu.memory_space<hbm>>) dst(%dma_wait3A_22 : memref<632x16xf32, #tpu.memory_space<vmem_shared>>)
      tpu.yield
    }) : () -> ()
    %mul3A_5 = arith.constant 632 : i32
    %mul3A_6 = arith.muli %arg1, %mul3A_5 : i32
    %mul3A_7 = arith.constant 632 : i32
    %mul3A_8 = arith.muli %arg1, %mul3A_7 : i32
    "tpu.region"() ({
      %run_scoped3A = tpu.sem_alloc : memref<!tpu.dma_semaphore, #tpu.memory_space<semaphore_mem>>
      %dma_start3A = arith.constant 0 : i32
      %dma_start3A_19 = tpu.memref_slice %arg11[%mul3A_8, %dma_start3A] : memref<10112x16xf32, #tpu.memory_space<vmem_shared>> -> memref<632x16xf32, #tpu.memory_space<vmem_shared>>
      %dma_start3A_20 = arith.constant 0 : i32
      %dma_start3A_21 = tpu.memref_slice %arg2[%mul3A_6, %dma_start3A_20] : memref<10112x16xf32, #tpu.memory_space<hbm>> -> memref<632x16xf32, #tpu.memory_space<hbm>>
      tpu.enqueue_dma source(%dma_start3A_21 : memref<632x16xf32, #tpu.memory_space<hbm>>) target(%dma_start3A_19 : memref<632x16xf32, #tpu.memory_space<vmem_shared>>) target_semaphore(%run_scoped3A : memref<!tpu.dma_semaphore, #tpu.memory_space<semaphore_mem>>)
      %dma_wait3A = arith.constant 0 : i32
      %dma_wait3A_22 = tpu.memref_slice %arg11[%mul3A_8, %dma_wait3A] : memref<10112x16xf32, #tpu.memory_space<vmem_shared>> -> memref<632x16xf32, #tpu.memory_space<vmem_shared>>
      %dma_wait3A_23 = arith.constant 0 : i32
      %dma_wait3A_24 = tpu.memref_slice %arg2[%mul3A_6, %dma_wait3A_23] : memref<10112x16xf32, #tpu.memory_space<hbm>> -> memref<632x16xf32, #tpu.memory_space<hbm>>
      tpu.wait_dma2 semaphore(%run_scoped3A : memref<!tpu.dma_semaphore, #tpu.memory_space<semaphore_mem>>) src(%dma_wait3A_24 : memref<632x16xf32, #tpu.memory_space<hbm>>) dst(%dma_wait3A_22 : memref<632x16xf32, #tpu.memory_space<vmem_shared>>)
      tpu.yield
    }) : () -> ()
    "tpu.region"() ({
      %run_scoped3A = tpu.sem_alloc : memref<!tpu.dma_semaphore, #tpu.memory_space<semaphore_mem>>
      %dma_start3A = arith.constant 0 : i32
      %dma_start3A_19 = arith.constant 0 : i32
      %dma_start3A_20 = tpu.memref_slice %arg3[%add3A, %dma_start3A, %dma_start3A_19] : memref<32x80x128xi32, #tpu.memory_space<hbm>> -> memref<1x80x128xi32, #tpu.memory_space<hbm>>
      %dma_start3A_21 = tpu.memref_squeeze %dma_start3A_20 : memref<1x80x128xi32, #tpu.memory_space<hbm>> -> memref<80x128xi32, #tpu.memory_space<hbm>>
      %dma_start3A_22 = arith.constant 0 : i32
      %dma_start3A_23 = arith.constant 0 : i32
      %dma_start3A_24 = tpu.memref_slice %arg3[%add3A, %dma_start3A_22, %dma_start3A_23] : memref<32x80x128xi32, #tpu.memory_space<hbm>> -> memref<1x80x128xi32, #tpu.memory_space<hbm>>
      %dma_start3A_25 = tpu.memref_squeeze %dma_start3A_24 : memref<1x80x128xi32, #tpu.memory_space<hbm>> -> memref<80x128xi32, #tpu.memory_space<hbm>>
      tpu.enqueue_dma source(%dma_start3A_25 : memref<80x128xi32, #tpu.memory_space<hbm>>) target(%arg7 : memref<80x128xi32, #tpu.memory_space<vmem>>) target_semaphore(%run_scoped3A : memref<!tpu.dma_semaphore, #tpu.memory_space<semaphore_mem>>)
      %dma_wait3A = arith.constant 0 : i32
      %dma_wait3A_26 = arith.constant 0 : i32
      %dma_wait3A_27 = tpu.memref_slice %arg3[%add3A, %dma_wait3A, %dma_wait3A_26] : memref<32x80x128xi32, #tpu.memory_space<hbm>> -> memref<1x80x128xi32, #tpu.memory_space<hbm>>
      %dma_wait3A_28 = tpu.memref_squeeze %dma_wait3A_27 : memref<1x80x128xi32, #tpu.memory_space<hbm>> -> memref<80x128xi32, #tpu.memory_space<hbm>>
      %dma_wait3A_29 = arith.constant 0 : i32
      %dma_wait3A_30 = arith.constant 0 : i32
      %dma_wait3A_31 = tpu.memref_slice %arg3[%add3A, %dma_wait3A_29, %dma_wait3A_30] : memref<32x80x128xi32, #tpu.memory_space<hbm>> -> memref<1x80x128xi32, #tpu.memory_space<hbm>>
      %dma_wait3A_32 = tpu.memref_squeeze %dma_wait3A_31 : memref<1x80x128xi32, #tpu.memory_space<hbm>> -> memref<80x128xi32, #tpu.memory_space<hbm>>
      tpu.wait_dma2 semaphore(%run_scoped3A : memref<!tpu.dma_semaphore, #tpu.memory_space<semaphore_mem>>) src(%dma_wait3A_32 : memref<80x128xi32, #tpu.memory_space<hbm>>) dst(%arg7 : memref<80x128xi32, #tpu.memory_space<vmem>>)
      tpu.yield
    }) : () -> ()
    "tpu.region"() ({
      %run_scoped3A = tpu.sem_alloc : memref<!tpu.dma_semaphore, #tpu.memory_space<semaphore_mem>>
      %dma_start3A = arith.constant 0 : i32
      %dma_start3A_19 = arith.constant 0 : i32
      %dma_start3A_20 = tpu.memref_slice %arg4[%add3A, %dma_start3A, %dma_start3A_19] : memref<32x80x128xi32, #tpu.memory_space<hbm>> -> memref<1x80x128xi32, #tpu.memory_space<hbm>>
      %dma_start3A_21 = tpu.memref_squeeze %dma_start3A_20 : memref<1x80x128xi32, #tpu.memory_space<hbm>> -> memref<80x128xi32, #tpu.memory_space<hbm>>
      %dma_start3A_22 = arith.constant 0 : i32
      %dma_start3A_23 = arith.constant 0 : i32
      %dma_start3A_24 = tpu.memref_slice %arg4[%add3A, %dma_start3A_22, %dma_start3A_23] : memref<32x80x128xi32, #tpu.memory_space<hbm>> -> memref<1x80x128xi32, #tpu.memory_space<hbm>>
      %dma_start3A_25 = tpu.memref_squeeze %dma_start3A_24 : memref<1x80x128xi32, #tpu.memory_space<hbm>> -> memref<80x128xi32, #tpu.memory_space<hbm>>
      tpu.enqueue_dma source(%dma_start3A_25 : memref<80x128xi32, #tpu.memory_space<hbm>>) target(%arg8 : memref<80x128xi32, #tpu.memory_space<vmem>>) target_semaphore(%run_scoped3A : memref<!tpu.dma_semaphore, #tpu.memory_space<semaphore_mem>>)
      %dma_wait3A = arith.constant 0 : i32
      %dma_wait3A_26 = arith.constant 0 : i32
      %dma_wait3A_27 = tpu.memref_slice %arg4[%add3A, %dma_wait3A, %dma_wait3A_26] : memref<32x80x128xi32, #tpu.memory_space<hbm>> -> memref<1x80x128xi32, #tpu.memory_space<hbm>>
      %dma_wait3A_28 = tpu.memref_squeeze %dma_wait3A_27 : memref<1x80x128xi32, #tpu.memory_space<hbm>> -> memref<80x128xi32, #tpu.memory_space<hbm>>
      %dma_wait3A_29 = arith.constant 0 : i32
      %dma_wait3A_30 = arith.constant 0 : i32
      %dma_wait3A_31 = tpu.memref_slice %arg4[%add3A, %dma_wait3A_29, %dma_wait3A_30] : memref<32x80x128xi32, #tpu.memory_space<hbm>> -> memref<1x80x128xi32, #tpu.memory_space<hbm>>
      %dma_wait3A_32 = tpu.memref_squeeze %dma_wait3A_31 : memref<1x80x128xi32, #tpu.memory_space<hbm>> -> memref<80x128xi32, #tpu.memory_space<hbm>>
      tpu.wait_dma2 semaphore(%run_scoped3A : memref<!tpu.dma_semaphore, #tpu.memory_space<semaphore_mem>>) src(%dma_wait3A_32 : memref<80x128xi32, #tpu.memory_space<hbm>>) dst(%arg8 : memref<80x128xi32, #tpu.memory_space<vmem>>)
      tpu.yield
    }) : () -> ()
    %barrier3A = arith.constant 0 : index
    tpu.barrier barrier_id(%barrier3A)
    %scan3A = arith.constant 0 : i32
    %scan3A_9 = arith.constant 0 : i32
    %scan3A_10 = arith.constant 20 : i32
    %scan3A_11 = arith.addi %scan3A_9, %scan3A_10 : i32
    %scan3A_12 = arith.constant 1 : i32
    scf.for %scan3A_19 = %scan3A_9 to %scan3A_11 step %scan3A_12  : i32 {
      %mul3A_20 = arith.constant 4 : i32
      %mul3A_21 = arith.muli %scan3A_19, %mul3A_20 : i32
      %add3A_22 = arith.constant 0 : i32
      %add3A_23 = arith.addi %mul3A_21, %add3A_22 : i32
      %dma_start3A = arith.constant 0 : i32
      %dma_start3A_24 = arith.constant 0 : i32
      %dma_start3A_25 = arith.constant 0 : i32
      %dma_start3A_26 = tpu.memref_slice %arg9[%dma_start3A, %dma_start3A_24, %dma_start3A_25] : memref<4x128x16xf32, #tpu.memory_space<vmem>> -> memref<1x128x16xf32, #tpu.memory_space<vmem>>
      %dma_start3A_27 = tpu.memref_squeeze %dma_start3A_26 : memref<1x128x16xf32, #tpu.memory_space<vmem>> -> memref<128x16xf32, #tpu.memory_space<vmem>>
      %dma_start3A_28 = arith.constant 0 : i32
      %dma_start3A_29 = tpu.memref_slice %arg7[%add3A_23, %dma_start3A_28] : memref<80x128xi32, #tpu.memory_space<vmem>> -> memref<1x128xi32, #tpu.memory_space<vmem>>
      %dma_start3A_30 = tpu.memref_squeeze %dma_start3A_29 : memref<1x128xi32, #tpu.memory_space<vmem>> -> memref<128xi32, #tpu.memory_space<vmem>>
      %dma_start3A_31 = arith.constant 0 : i32
      %dma_start3A_32 = arith.constant 0 : i32
      %dma_start3A_33 = tpu.memref_slice %arg11[%dma_start3A_31, %dma_start3A_32] : memref<10112x16xf32, #tpu.memory_space<vmem_shared>> -> memref<10112x16xf32, #tpu.memory_space<vmem_shared>>
      tpu.enqueue_indirect_dma source(%dma_start3A_33 : memref<10112x16xf32, #tpu.memory_space<vmem_shared>>) target(%dma_start3A_27 : memref<128x16xf32, #tpu.memory_space<vmem>>) offsets(%dma_start3A_30 : memref<128xi32, #tpu.memory_space<vmem>>) semaphore(%arg12 : memref<!tpu.dma_semaphore, #tpu.memory_space<semaphore_mem>>)
      %add3A_34 = arith.constant 1 : i32
      %add3A_35 = arith.addi %mul3A_21, %add3A_34 : i32
      %dma_start3A_36 = arith.constant 1 : i32
      %dma_start3A_37 = arith.constant 0 : i32
      %dma_start3A_38 = arith.constant 0 : i32
      %dma_start3A_39 = tpu.memref_slice %arg9[%dma_start3A_36, %dma_start3A_37, %dma_start3A_38] : memref<4x128x16xf32, #tpu.memory_space<vmem>> -> memref<1x128x16xf32, #tpu.memory_space<vmem>>
      %dma_start3A_40 = tpu.memref_squeeze %dma_start3A_39 : memref<1x128x16xf32, #tpu.memory_space<vmem>> -> memref<128x16xf32, #tpu.memory_space<vmem>>
      %dma_start3A_41 = arith.constant 0 : i32
      %dma_start3A_42 = tpu.memref_slice %arg7[%add3A_35, %dma_start3A_41] : memref<80x128xi32, #tpu.memory_space<vmem>> -> memref<1x128xi32, #tpu.memory_space<vmem>>
      %dma_start3A_43 = tpu.memref_squeeze %dma_start3A_42 : memref<1x128xi32, #tpu.memory_space<vmem>> -> memref<128xi32, #tpu.memory_space<vmem>>
      %dma_start3A_44 = arith.constant 0 : i32
      %dma_start3A_45 = arith.constant 0 : i32
      %dma_start3A_46 = tpu.memref_slice %arg11[%dma_start3A_44, %dma_start3A_45] : memref<10112x16xf32, #tpu.memory_space<vmem_shared>> -> memref<10112x16xf32, #tpu.memory_space<vmem_shared>>
      tpu.enqueue_indirect_dma source(%dma_start3A_46 : memref<10112x16xf32, #tpu.memory_space<vmem_shared>>) target(%dma_start3A_40 : memref<128x16xf32, #tpu.memory_space<vmem>>) offsets(%dma_start3A_43 : memref<128xi32, #tpu.memory_space<vmem>>) semaphore(%arg13 : memref<!tpu.dma_semaphore, #tpu.memory_space<semaphore_mem>>)
      %add3A_47 = arith.constant 2 : i32
      %add3A_48 = arith.addi %mul3A_21, %add3A_47 : i32
      %dma_start3A_49 = arith.constant 2 : i32
      %dma_start3A_50 = arith.constant 0 : i32
      %dma_start3A_51 = arith.constant 0 : i32
      %dma_start3A_52 = tpu.memref_slice %arg9[%dma_start3A_49, %dma_start3A_50, %dma_start3A_51] : memref<4x128x16xf32, #tpu.memory_space<vmem>> -> memref<1x128x16xf32, #tpu.memory_space<vmem>>
      %dma_start3A_53 = tpu.memref_squeeze %dma_start3A_52 : memref<1x128x16xf32, #tpu.memory_space<vmem>> -> memref<128x16xf32, #tpu.memory_space<vmem>>
      %dma_start3A_54 = arith.constant 0 : i32
      %dma_start3A_55 = tpu.memref_slice %arg7[%add3A_48, %dma_start3A_54] : memref<80x128xi32, #tpu.memory_space<vmem>> -> memref<1x128xi32, #tpu.memory_space<vmem>>
      %dma_start3A_56 = tpu.memref_squeeze %dma_start3A_55 : memref<1x128xi32, #tpu.memory_space<vmem>> -> memref<128xi32, #tpu.memory_space<vmem>>
      %dma_start3A_57 = arith.constant 0 : i32
      %dma_start3A_58 = arith.constant 0 : i32
      %dma_start3A_59 = tpu.memref_slice %arg11[%dma_start3A_57, %dma_start3A_58] : memref<10112x16xf32, #tpu.memory_space<vmem_shared>> -> memref<10112x16xf32, #tpu.memory_space<vmem_shared>>
      tpu.enqueue_indirect_dma source(%dma_start3A_59 : memref<10112x16xf32, #tpu.memory_space<vmem_shared>>) target(%dma_start3A_53 : memref<128x16xf32, #tpu.memory_space<vmem>>) offsets(%dma_start3A_56 : memref<128xi32, #tpu.memory_space<vmem>>) semaphore(%arg14 : memref<!tpu.dma_semaphore, #tpu.memory_space<semaphore_mem>>)
      %add3A_60 = arith.constant 3 : i32
      %add3A_61 = arith.addi %mul3A_21, %add3A_60 : i32
      %dma_start3A_62 = arith.constant 3 : i32
      %dma_start3A_63 = arith.constant 0 : i32
      %dma_start3A_64 = arith.constant 0 : i32
      %dma_start3A_65 = tpu.memref_slice %arg9[%dma_start3A_62, %dma_start3A_63, %dma_start3A_64] : memref<4x128x16xf32, #tpu.memory_space<vmem>> -> memref<1x128x16xf32, #tpu.memory_space<vmem>>
      %dma_start3A_66 = tpu.memref_squeeze %dma_start3A_65 : memref<1x128x16xf32, #tpu.memory_space<vmem>> -> memref<128x16xf32, #tpu.memory_space<vmem>>
      %dma_start3A_67 = arith.constant 0 : i32
      %dma_start3A_68 = tpu.memref_slice %arg7[%add3A_61, %dma_start3A_67] : memref<80x128xi32, #tpu.memory_space<vmem>> -> memref<1x128xi32, #tpu.memory_space<vmem>>
      %dma_start3A_69 = tpu.memref_squeeze %dma_start3A_68 : memref<1x128xi32, #tpu.memory_space<vmem>> -> memref<128xi32, #tpu.memory_space<vmem>>
      %dma_start3A_70 = arith.constant 0 : i32
      %dma_start3A_71 = arith.constant 0 : i32
      %dma_start3A_72 = tpu.memref_slice %arg11[%dma_start3A_70, %dma_start3A_71] : memref<10112x16xf32, #tpu.memory_space<vmem_shared>> -> memref<10112x16xf32, #tpu.memory_space<vmem_shared>>
      tpu.enqueue_indirect_dma source(%dma_start3A_72 : memref<10112x16xf32, #tpu.memory_space<vmem_shared>>) target(%dma_start3A_66 : memref<128x16xf32, #tpu.memory_space<vmem>>) offsets(%dma_start3A_69 : memref<128xi32, #tpu.memory_space<vmem>>) semaphore(%arg15 : memref<!tpu.dma_semaphore, #tpu.memory_space<semaphore_mem>>)
      %dma_wait3A = arith.constant 0 : i32
      %dma_wait3A_73 = arith.constant 0 : i32
      %dma_wait3A_74 = arith.constant 0 : i32
      %dma_wait3A_75 = tpu.memref_slice %arg9[%dma_wait3A, %dma_wait3A_73, %dma_wait3A_74] : memref<4x128x16xf32, #tpu.memory_space<vmem>> -> memref<1x128x16xf32, #tpu.memory_space<vmem>>
      %dma_wait3A_76 = tpu.memref_squeeze %dma_wait3A_75 : memref<1x128x16xf32, #tpu.memory_space<vmem>> -> memref<128x16xf32, #tpu.memory_space<vmem>>
      %dma_wait3A_77 = arith.constant 0 : i32
      %dma_wait3A_78 = tpu.memref_slice %arg7[%add3A_23, %dma_wait3A_77] : memref<80x128xi32, #tpu.memory_space<vmem>> -> memref<1x128xi32, #tpu.memory_space<vmem>>
      %dma_wait3A_79 = tpu.memref_squeeze %dma_wait3A_78 : memref<1x128xi32, #tpu.memory_space<vmem>> -> memref<128xi32, #tpu.memory_space<vmem>>
      %dma_wait3A_80 = arith.constant 0 : i32
      %dma_wait3A_81 = arith.constant 0 : i32
      %dma_wait3A_82 = tpu.memref_slice %arg11[%dma_wait3A_80, %dma_wait3A_81] : memref<10112x16xf32, #tpu.memory_space<vmem_shared>> -> memref<10112x16xf32, #tpu.memory_space<vmem_shared>>
      tpu.wait_indirect_dma semaphore(%arg12 : memref<!tpu.dma_semaphore, #tpu.memory_space<semaphore_mem>>) src(%dma_wait3A_82 : memref<10112x16xf32, #tpu.memory_space<vmem_shared>>) dst(%dma_wait3A_76 : memref<128x16xf32, #tpu.memory_space<vmem>>)
      %add3A_83 = arith.constant 0 : i32
      %add3A_84 = arith.addi %mul3A_21, %add3A_83 : i32
      %run_scoped3A = arith.constant 0 : i32
      "tpu.region"() ({
        %run_scoped3A_127 = tpu.sem_alloc : memref<!tpu.dma_semaphore, #tpu.memory_space<semaphore_mem>>
        %dma_start3A_128 = arith.constant 0 : i32
        %dma_start3A_129 = arith.constant 0 : i32
        %dma_start3A_130 = tpu.memref_slice %arg9[%run_scoped3A, %dma_start3A_128, %dma_start3A_129] : memref<4x128x16xf32, #tpu.memory_space<vmem>> -> memref<1x128x16xf32, #tpu.memory_space<vmem>>
        %dma_start3A_131 = tpu.memref_squeeze %dma_start3A_130 : memref<1x128x16xf32, #tpu.memory_space<vmem>> -> memref<128x16xf32, #tpu.memory_space<vmem>>
        %dma_start3A_132 = arith.constant 0 : i32
        %dma_start3A_133 = tpu.memref_slice %arg8[%add3A_84, %dma_start3A_132] : memref<80x128xi32, #tpu.memory_space<vmem>> -> memref<1x128xi32, #tpu.memory_space<vmem>>
        %dma_start3A_134 = tpu.memref_squeeze %dma_start3A_133 : memref<1x128xi32, #tpu.memory_space<vmem>> -> memref<128xi32, #tpu.memory_space<vmem>>
        %dma_start3A_135 = arith.constant 0 : i32
        %dma_start3A_136 = arith.constant 0 : i32
        %dma_start3A_137 = tpu.memref_slice %arg10[%dma_start3A_135, %dma_start3A_136] : memref<10112x16xf32, #tpu.memory_space<vmem_shared>> -> memref<10112x16xf32, #tpu.memory_space<vmem_shared>>
        tpu.enqueue_indirect_dma source(%dma_start3A_131 : memref<128x16xf32, #tpu.memory_space<vmem>>) target(%dma_start3A_137 : memref<10112x16xf32, #tpu.memory_space<vmem_shared>>) offsets(%dma_start3A_134 : memref<128xi32, #tpu.memory_space<vmem>>) semaphore(%run_scoped3A_127 : memref<!tpu.dma_semaphore, #tpu.memory_space<semaphore_mem>>) {add = true}
        %dma_wait3A_138 = arith.constant 0 : i32
        %dma_wait3A_139 = arith.constant 0 : i32
        %dma_wait3A_140 = tpu.memref_slice %arg9[%run_scoped3A, %dma_wait3A_138, %dma_wait3A_139] : memref<4x128x16xf32, #tpu.memory_space<vmem>> -> memref<1x128x16xf32, #tpu.memory_space<vmem>>
        %dma_wait3A_141 = tpu.memref_squeeze %dma_wait3A_140 : memref<1x128x16xf32, #tpu.memory_space<vmem>> -> memref<128x16xf32, #tpu.memory_space<vmem>>
        %dma_wait3A_142 = arith.constant 0 : i32
        %dma_wait3A_143 = tpu.memref_slice %arg8[%add3A_84, %dma_wait3A_142] : memref<80x128xi32, #tpu.memory_space<vmem>> -> memref<1x128xi32, #tpu.memory_space<vmem>>
        %dma_wait3A_144 = tpu.memref_squeeze %dma_wait3A_143 : memref<1x128xi32, #tpu.memory_space<vmem>> -> memref<128xi32, #tpu.memory_space<vmem>>
        %dma_wait3A_145 = arith.constant 0 : i32
        %dma_wait3A_146 = arith.constant 0 : i32
        %dma_wait3A_147 = tpu.memref_slice %arg10[%dma_wait3A_145, %dma_wait3A_146] : memref<10112x16xf32, #tpu.memory_space<vmem_shared>> -> memref<10112x16xf32, #tpu.memory_space<vmem_shared>>
        tpu.wait_indirect_dma semaphore(%run_scoped3A_127 : memref<!tpu.dma_semaphore, #tpu.memory_space<semaphore_mem>>) src(%dma_wait3A_141 : memref<128x16xf32, #tpu.memory_space<vmem>>) dst(%dma_wait3A_147 : memref<10112x16xf32, #tpu.memory_space<vmem_shared>>)
        tpu.yield
      }) : () -> ()
      %dma_wait3A_85 = arith.constant 1 : i32
      %dma_wait3A_86 = arith.constant 0 : i32
      %dma_wait3A_87 = arith.constant 0 : i32
      %dma_wait3A_88 = tpu.memref_slice %arg9[%dma_wait3A_85, %dma_wait3A_86, %dma_wait3A_87] : memref<4x128x16xf32, #tpu.memory_space<vmem>> -> memref<1x128x16xf32, #tpu.memory_space<vmem>>
      %dma_wait3A_89 = tpu.memref_squeeze %dma_wait3A_88 : memref<1x128x16xf32, #tpu.memory_space<vmem>> -> memref<128x16xf32, #tpu.memory_space<vmem>>
      %dma_wait3A_90 = arith.constant 0 : i32
      %dma_wait3A_91 = tpu.memref_slice %arg7[%add3A_35, %dma_wait3A_90] : memref<80x128xi32, #tpu.memory_space<vmem>> -> memref<1x128xi32, #tpu.memory_space<vmem>>
      %dma_wait3A_92 = tpu.memref_squeeze %dma_wait3A_91 : memref<1x128xi32, #tpu.memory_space<vmem>> -> memref<128xi32, #tpu.memory_space<vmem>>
      %dma_wait3A_93 = arith.constant 0 : i32
      %dma_wait3A_94 = arith.constant 0 : i32
      %dma_wait3A_95 = tpu.memref_slice %arg11[%dma_wait3A_93, %dma_wait3A_94] : memref<10112x16xf32, #tpu.memory_space<vmem_shared>> -> memref<10112x16xf32, #tpu.memory_space<vmem_shared>>
      tpu.wait_indirect_dma semaphore(%arg13 : memref<!tpu.dma_semaphore, #tpu.memory_space<semaphore_mem>>) src(%dma_wait3A_95 : memref<10112x16xf32, #tpu.memory_space<vmem_shared>>) dst(%dma_wait3A_89 : memref<128x16xf32, #tpu.memory_space<vmem>>)
      %add3A_96 = arith.constant 1 : i32
      %add3A_97 = arith.addi %mul3A_21, %add3A_96 : i32
      %run_scoped3A_98 = arith.constant 1 : i32
      "tpu.region"() ({
        %run_scoped3A_127 = tpu.sem_alloc : memref<!tpu.dma_semaphore, #tpu.memory_space<semaphore_mem>>
        %dma_start3A_128 = arith.constant 0 : i32
        %dma_start3A_129 = arith.constant 0 : i32
        %dma_start3A_130 = tpu.memref_slice %arg9[%run_scoped3A_98, %dma_start3A_128, %dma_start3A_129] : memref<4x128x16xf32, #tpu.memory_space<vmem>> -> memref<1x128x16xf32, #tpu.memory_space<vmem>>
        %dma_start3A_131 = tpu.memref_squeeze %dma_start3A_130 : memref<1x128x16xf32, #tpu.memory_space<vmem>> -> memref<128x16xf32, #tpu.memory_space<vmem>>
        %dma_start3A_132 = arith.constant 0 : i32
        %dma_start3A_133 = tpu.memref_slice %arg8[%add3A_97, %dma_start3A_132] : memref<80x128xi32, #tpu.memory_space<vmem>> -> memref<1x128xi32, #tpu.memory_space<vmem>>
        %dma_start3A_134 = tpu.memref_squeeze %dma_start3A_133 : memref<1x128xi32, #tpu.memory_space<vmem>> -> memref<128xi32, #tpu.memory_space<vmem>>
        %dma_start3A_135 = arith.constant 0 : i32
        %dma_start3A_136 = arith.constant 0 : i32
        %dma_start3A_137 = tpu.memref_slice %arg10[%dma_start3A_135, %dma_start3A_136] : memref<10112x16xf32, #tpu.memory_space<vmem_shared>> -> memref<10112x16xf32, #tpu.memory_space<vmem_shared>>
        tpu.enqueue_indirect_dma source(%dma_start3A_131 : memref<128x16xf32, #tpu.memory_space<vmem>>) target(%dma_start3A_137 : memref<10112x16xf32, #tpu.memory_space<vmem_shared>>) offsets(%dma_start3A_134 : memref<128xi32, #tpu.memory_space<vmem>>) semaphore(%run_scoped3A_127 : memref<!tpu.dma_semaphore, #tpu.memory_space<semaphore_mem>>) {add = true}
        %dma_wait3A_138 = arith.constant 0 : i32
        %dma_wait3A_139 = arith.constant 0 : i32
        %dma_wait3A_140 = tpu.memref_slice %arg9[%run_scoped3A_98, %dma_wait3A_138, %dma_wait3A_139] : memref<4x128x16xf32, #tpu.memory_space<vmem>> -> memref<1x128x16xf32, #tpu.memory_space<vmem>>
        %dma_wait3A_141 = tpu.memref_squeeze %dma_wait3A_140 : memref<1x128x16xf32, #tpu.memory_space<vmem>> -> memref<128x16xf32, #tpu.memory_space<vmem>>
        %dma_wait3A_142 = arith.constant 0 : i32
        %dma_wait3A_143 = tpu.memref_slice %arg8[%add3A_97, %dma_wait3A_142] : memref<80x128xi32, #tpu.memory_space<vmem>> -> memref<1x128xi32, #tpu.memory_space<vmem>>
        %dma_wait3A_144 = tpu.memref_squeeze %dma_wait3A_143 : memref<1x128xi32, #tpu.memory_space<vmem>> -> memref<128xi32, #tpu.memory_space<vmem>>
        %dma_wait3A_145 = arith.constant 0 : i32
        %dma_wait3A_146 = arith.constant 0 : i32
        %dma_wait3A_147 = tpu.memref_slice %arg10[%dma_wait3A_145, %dma_wait3A_146] : memref<10112x16xf32, #tpu.memory_space<vmem_shared>> -> memref<10112x16xf32, #tpu.memory_space<vmem_shared>>
        tpu.wait_indirect_dma semaphore(%run_scoped3A_127 : memref<!tpu.dma_semaphore, #tpu.memory_space<semaphore_mem>>) src(%dma_wait3A_141 : memref<128x16xf32, #tpu.memory_space<vmem>>) dst(%dma_wait3A_147 : memref<10112x16xf32, #tpu.memory_space<vmem_shared>>)
        tpu.yield
      }) : () -> ()
      %dma_wait3A_99 = arith.constant 2 : i32
      %dma_wait3A_100 = arith.constant 0 : i32
      %dma_wait3A_101 = arith.constant 0 : i32
      %dma_wait3A_102 = tpu.memref_slice %arg9[%dma_wait3A_99, %dma_wait3A_100, %dma_wait3A_101] : memref<4x128x16xf32, #tpu.memory_space<vmem>> -> memref<1x128x16xf32, #tpu.memory_space<vmem>>
      %dma_wait3A_103 = tpu.memref_squeeze %dma_wait3A_102 : memref<1x128x16xf32, #tpu.memory_space<vmem>> -> memref<128x16xf32, #tpu.memory_space<vmem>>
      %dma_wait3A_104 = arith.constant 0 : i32
      %dma_wait3A_105 = tpu.memref_slice %arg7[%add3A_48, %dma_wait3A_104] : memref<80x128xi32, #tpu.memory_space<vmem>> -> memref<1x128xi32, #tpu.memory_space<vmem>>
      %dma_wait3A_106 = tpu.memref_squeeze %dma_wait3A_105 : memref<1x128xi32, #tpu.memory_space<vmem>> -> memref<128xi32, #tpu.memory_space<vmem>>
      %dma_wait3A_107 = arith.constant 0 : i32
      %dma_wait3A_108 = arith.constant 0 : i32
      %dma_wait3A_109 = tpu.memref_slice %arg11[%dma_wait3A_107, %dma_wait3A_108] : memref<10112x16xf32, #tpu.memory_space<vmem_shared>> -> memref<10112x16xf32, #tpu.memory_space<vmem_shared>>
      tpu.wait_indirect_dma semaphore(%arg14 : memref<!tpu.dma_semaphore, #tpu.memory_space<semaphore_mem>>) src(%dma_wait3A_109 : memref<10112x16xf32, #tpu.memory_space<vmem_shared>>) dst(%dma_wait3A_103 : memref<128x16xf32, #tpu.memory_space<vmem>>)
      %add3A_110 = arith.constant 2 : i32
      %add3A_111 = arith.addi %mul3A_21, %add3A_110 : i32
      %run_scoped3A_112 = arith.constant 2 : i32
      "tpu.region"() ({
        %run_scoped3A_127 = tpu.sem_alloc : memref<!tpu.dma_semaphore, #tpu.memory_space<semaphore_mem>>
        %dma_start3A_128 = arith.constant 0 : i32
        %dma_start3A_129 = arith.constant 0 : i32
        %dma_start3A_130 = tpu.memref_slice %arg9[%run_scoped3A_112, %dma_start3A_128, %dma_start3A_129] : memref<4x128x16xf32, #tpu.memory_space<vmem>> -> memref<1x128x16xf32, #tpu.memory_space<vmem>>
        %dma_start3A_131 = tpu.memref_squeeze %dma_start3A_130 : memref<1x128x16xf32, #tpu.memory_space<vmem>> -> memref<128x16xf32, #tpu.memory_space<vmem>>
        %dma_start3A_132 = arith.constant 0 : i32
        %dma_start3A_133 = tpu.memref_slice %arg8[%add3A_111, %dma_start3A_132] : memref<80x128xi32, #tpu.memory_space<vmem>> -> memref<1x128xi32, #tpu.memory_space<vmem>>
        %dma_start3A_134 = tpu.memref_squeeze %dma_start3A_133 : memref<1x128xi32, #tpu.memory_space<vmem>> -> memref<128xi32, #tpu.memory_space<vmem>>
        %dma_start3A_135 = arith.constant 0 : i32
        %dma_start3A_136 = arith.constant 0 : i32
        %dma_start3A_137 = tpu.memref_slice %arg10[%dma_start3A_135, %dma_start3A_136] : memref<10112x16xf32, #tpu.memory_space<vmem_shared>> -> memref<10112x16xf32, #tpu.memory_space<vmem_shared>>
        tpu.enqueue_indirect_dma source(%dma_start3A_131 : memref<128x16xf32, #tpu.memory_space<vmem>>) target(%dma_start3A_137 : memref<10112x16xf32, #tpu.memory_space<vmem_shared>>) offsets(%dma_start3A_134 : memref<128xi32, #tpu.memory_space<vmem>>) semaphore(%run_scoped3A_127 : memref<!tpu.dma_semaphore, #tpu.memory_space<semaphore_mem>>) {add = true}
        %dma_wait3A_138 = arith.constant 0 : i32
        %dma_wait3A_139 = arith.constant 0 : i32
        %dma_wait3A_140 = tpu.memref_slice %arg9[%run_scoped3A_112, %dma_wait3A_138, %dma_wait3A_139] : memref<4x128x16xf32, #tpu.memory_space<vmem>> -> memref<1x128x16xf32, #tpu.memory_space<vmem>>
        %dma_wait3A_141 = tpu.memref_squeeze %dma_wait3A_140 : memref<1x128x16xf32, #tpu.memory_space<vmem>> -> memref<128x16xf32, #tpu.memory_space<vmem>>
        %dma_wait3A_142 = arith.constant 0 : i32
        %dma_wait3A_143 = tpu.memref_slice %arg8[%add3A_111, %dma_wait3A_142] : memref<80x128xi32, #tpu.memory_space<vmem>> -> memref<1x128xi32, #tpu.memory_space<vmem>>
        %dma_wait3A_144 = tpu.memref_squeeze %dma_wait3A_143 : memref<1x128xi32, #tpu.memory_space<vmem>> -> memref<128xi32, #tpu.memory_space<vmem>>
        %dma_wait3A_145 = arith.constant 0 : i32
        %dma_wait3A_146 = arith.constant 0 : i32
        %dma_wait3A_147 = tpu.memref_slice %arg10[%dma_wait3A_145, %dma_wait3A_146] : memref<10112x16xf32, #tpu.memory_space<vmem_shared>> -> memref<10112x16xf32, #tpu.memory_space<vmem_shared>>
        tpu.wait_indirect_dma semaphore(%run_scoped3A_127 : memref<!tpu.dma_semaphore, #tpu.memory_space<semaphore_mem>>) src(%dma_wait3A_141 : memref<128x16xf32, #tpu.memory_space<vmem>>) dst(%dma_wait3A_147 : memref<10112x16xf32, #tpu.memory_space<vmem_shared>>)
        tpu.yield
      }) : () -> ()
      %dma_wait3A_113 = arith.constant 3 : i32
      %dma_wait3A_114 = arith.constant 0 : i32
      %dma_wait3A_115 = arith.constant 0 : i32
      %dma_wait3A_116 = tpu.memref_slice %arg9[%dma_wait3A_113, %dma_wait3A_114, %dma_wait3A_115] : memref<4x128x16xf32, #tpu.memory_space<vmem>> -> memref<1x128x16xf32, #tpu.memory_space<vmem>>
      %dma_wait3A_117 = tpu.memref_squeeze %dma_wait3A_116 : memref<1x128x16xf32, #tpu.memory_space<vmem>> -> memref<128x16xf32, #tpu.memory_space<vmem>>
      %dma_wait3A_118 = arith.constant 0 : i32
      %dma_wait3A_119 = tpu.memref_slice %arg7[%add3A_61, %dma_wait3A_118] : memref<80x128xi32, #tpu.memory_space<vmem>> -> memref<1x128xi32, #tpu.memory_space<vmem>>
      %dma_wait3A_120 = tpu.memref_squeeze %dma_wait3A_119 : memref<1x128xi32, #tpu.memory_space<vmem>> -> memref<128xi32, #tpu.memory_space<vmem>>
      %dma_wait3A_121 = arith.constant 0 : i32
      %dma_wait3A_122 = arith.constant 0 : i32
      %dma_wait3A_123 = tpu.memref_slice %arg11[%dma_wait3A_121, %dma_wait3A_122] : memref<10112x16xf32, #tpu.memory_space<vmem_shared>> -> memref<10112x16xf32, #tpu.memory_space<vmem_shared>>
      tpu.wait_indirect_dma semaphore(%arg15 : memref<!tpu.dma_semaphore, #tpu.memory_space<semaphore_mem>>) src(%dma_wait3A_123 : memref<10112x16xf32, #tpu.memory_space<vmem_shared>>) dst(%dma_wait3A_117 : memref<128x16xf32, #tpu.memory_space<vmem>>)
      %add3A_124 = arith.constant 3 : i32
      %add3A_125 = arith.addi %mul3A_21, %add3A_124 : i32
      %run_scoped3A_126 = arith.constant 3 : i32
      "tpu.region"() ({
        %run_scoped3A_127 = tpu.sem_alloc : memref<!tpu.dma_semaphore, #tpu.memory_space<semaphore_mem>>
        %dma_start3A_128 = arith.constant 0 : i32
        %dma_start3A_129 = arith.constant 0 : i32
        %dma_start3A_130 = tpu.memref_slice %arg9[%run_scoped3A_126, %dma_start3A_128, %dma_start3A_129] : memref<4x128x16xf32, #tpu.memory_space<vmem>> -> memref<1x128x16xf32, #tpu.memory_space<vmem>>
        %dma_start3A_131 = tpu.memref_squeeze %dma_start3A_130 : memref<1x128x16xf32, #tpu.memory_space<vmem>> -> memref<128x16xf32, #tpu.memory_space<vmem>>
        %dma_start3A_132 = arith.constant 0 : i32
        %dma_start3A_133 = tpu.memref_slice %arg8[%add3A_125, %dma_start3A_132] : memref<80x128xi32, #tpu.memory_space<vmem>> -> memref<1x128xi32, #tpu.memory_space<vmem>>
        %dma_start3A_134 = tpu.memref_squeeze %dma_start3A_133 : memref<1x128xi32, #tpu.memory_space<vmem>> -> memref<128xi32, #tpu.memory_space<vmem>>
        %dma_start3A_135 = arith.constant 0 : i32
        %dma_start3A_136 = arith.constant 0 : i32
        %dma_start3A_137 = tpu.memref_slice %arg10[%dma_start3A_135, %dma_start3A_136] : memref<10112x16xf32, #tpu.memory_space<vmem_shared>> -> memref<10112x16xf32, #tpu.memory_space<vmem_shared>>
        tpu.enqueue_indirect_dma source(%dma_start3A_131 : memref<128x16xf32, #tpu.memory_space<vmem>>) target(%dma_start3A_137 : memref<10112x16xf32, #tpu.memory_space<vmem_shared>>) offsets(%dma_start3A_134 : memref<128xi32, #tpu.memory_space<vmem>>) semaphore(%run_scoped3A_127 : memref<!tpu.dma_semaphore, #tpu.memory_space<semaphore_mem>>) {add = true}
        %dma_wait3A_138 = arith.constant 0 : i32
        %dma_wait3A_139 = arith.constant 0 : i32
        %dma_wait3A_140 = tpu.memref_slice %arg9[%run_scoped3A_126, %dma_wait3A_138, %dma_wait3A_139] : memref<4x128x16xf32, #tpu.memory_space<vmem>> -> memref<1x128x16xf32, #tpu.memory_space<vmem>>
        %dma_wait3A_141 = tpu.memref_squeeze %dma_wait3A_140 : memref<1x128x16xf32, #tpu.memory_space<vmem>> -> memref<128x16xf32, #tpu.memory_space<vmem>>
        %dma_wait3A_142 = arith.constant 0 : i32
        %dma_wait3A_143 = tpu.memref_slice %arg8[%add3A_125, %dma_wait3A_142] : memref<80x128xi32, #tpu.memory_space<vmem>> -> memref<1x128xi32, #tpu.memory_space<vmem>>
        %dma_wait3A_144 = tpu.memref_squeeze %dma_wait3A_143 : memref<1x128xi32, #tpu.memory_space<vmem>> -> memref<128xi32, #tpu.memory_space<vmem>>
        %dma_wait3A_145 = arith.constant 0 : i32
        %dma_wait3A_146 = arith.constant 0 : i32
        %dma_wait3A_147 = tpu.memref_slice %arg10[%dma_wait3A_145, %dma_wait3A_146] : memref<10112x16xf32, #tpu.memory_space<vmem_shared>> -> memref<10112x16xf32, #tpu.memory_space<vmem_shared>>
        tpu.wait_indirect_dma semaphore(%run_scoped3A_127 : memref<!tpu.dma_semaphore, #tpu.memory_space<semaphore_mem>>) src(%dma_wait3A_141 : memref<128x16xf32, #tpu.memory_space<vmem>>) dst(%dma_wait3A_147 : memref<10112x16xf32, #tpu.memory_space<vmem_shared>>)
        tpu.yield
      }) : () -> ()
    }
    %scan3A_13 = arith.constant 20 : i32
    %barrier3A_14 = arith.constant 0 : index
    tpu.barrier barrier_id(%barrier3A_14)
    %mul3A_15 = arith.constant 632 : i32
    %mul3A_16 = arith.muli %arg1, %mul3A_15 : i32
    %mul3A_17 = arith.constant 632 : i32
    %mul3A_18 = arith.muli %arg1, %mul3A_17 : i32
    "tpu.region"() ({
      %run_scoped3A = tpu.sem_alloc : memref<!tpu.dma_semaphore, #tpu.memory_space<semaphore_mem>>
      %dma_start3A = arith.constant 0 : i32
      %dma_start3A_19 = tpu.memref_slice %arg6[%arg0, %mul3A_18, %dma_start3A] : memref<2x10112x16xf32, #tpu.memory_space<hbm>> -> memref<1x632x16xf32, #tpu.memory_space<hbm>>
      %dma_start3A_20 = tpu.memref_squeeze %dma_start3A_19 : memref<1x632x16xf32, #tpu.memory_space<hbm>> -> memref<632x16xf32, #tpu.memory_space<hbm>>
      %dma_start3A_21 = arith.constant 0 : i32
      %dma_start3A_22 = tpu.memref_slice %arg10[%mul3A_16, %dma_start3A_21] : memref<10112x16xf32, #tpu.memory_space<vmem_shared>> -> memref<632x16xf32, #tpu.memory_space<vmem_shared>>
      tpu.enqueue_dma source(%dma_start3A_22 : memref<632x16xf32, #tpu.memory_space<vmem_shared>>) target(%dma_start3A_20 : memref<632x16xf32, #tpu.memory_space<hbm>>) target_semaphore(%run_scoped3A : memref<!tpu.dma_semaphore, #tpu.memory_space<semaphore_mem>>)
      %dma_wait3A = arith.constant 0 : i32
      %dma_wait3A_23 = tpu.memref_slice %arg6[%arg0, %mul3A_18, %dma_wait3A] : memref<2x10112x16xf32, #tpu.memory_space<hbm>> -> memref<1x632x16xf32, #tpu.memory_space<hbm>>
      %dma_wait3A_24 = tpu.memref_squeeze %dma_wait3A_23 : memref<1x632x16xf32, #tpu.memory_space<hbm>> -> memref<632x16xf32, #tpu.memory_space<hbm>>
      %dma_wait3A_25 = arith.constant 0 : i32
      %dma_wait3A_26 = tpu.memref_slice %arg10[%mul3A_16, %dma_wait3A_25] : memref<10112x16xf32, #tpu.memory_space<vmem_shared>> -> memref<632x16xf32, #tpu.memory_space<vmem_shared>>
      tpu.wait_dma2 semaphore(%run_scoped3A : memref<!tpu.dma_semaphore, #tpu.memory_space<semaphore_mem>>) src(%dma_wait3A_26 : memref<632x16xf32, #tpu.memory_space<vmem_shared>>) dst(%dma_wait3A_24 : memref<632x16xf32, #tpu.memory_space<hbm>>)
      tpu.yield
    }) : () -> ()
    return
  }
}

#map = affine_map<(d0, d1) -> (0, 0)>
#map1 = affine_map<(d0, d1) -> (0, 0, 0)>
module attributes {stable_mosaic.version = 14 : i64} {
  func.func @_sc_agg_body(%arg0: i32, %arg1: i32, %arg2: memref<10112x16xf32, #tpu.memory_space<hbm>>, %arg3: memref<32x80x128xi32, #tpu.memory_space<hbm>>, %arg4: memref<32x80x128xi32, #tpu.memory_space<hbm>>, %arg5: memref<10112x16xf32, #tpu.memory_space<hbm>>, %arg6: memref<2x10112x16xf32, #tpu.memory_space<hbm>>, %arg7: memref<80x128xi32, #tpu.memory_space<vmem>>, %arg8: memref<80x128xi32, #tpu.memory_space<vmem>>, %arg9: memref<4x128x16xf32, #tpu.memory_space<vmem>>, %arg10: memref<10112x16xf32, #tpu.memory_space<vmem_shared>>, %arg11: memref<10112x16xf32, #tpu.memory_space<vmem_shared>>, %arg12: memref<!tpu.dma_semaphore, #tpu.memory_space<semaphore_mem>>, %arg13: memref<!tpu.dma_semaphore, #tpu.memory_space<semaphore_mem>>, %arg14: memref<!tpu.dma_semaphore, #tpu.memory_space<semaphore_mem>>, %arg15: memref<!tpu.dma_semaphore, #tpu.memory_space<semaphore_mem>>) attributes {dimension_semantics = [#tpu.dimension_semantics<core_parallel>, #tpu.dimension_semantics<subcore_parallel>], iteration_bounds = array<i64: 2, 16>, scalar_prefetch = 0 : i64, scratch_operands = 9 : i64, tpu.core_type = #tpu.core_type<sc_vector_subcore>, window_params = [{transform_indices = #map}, {transform_indices = #map1}, {transform_indices = #map1}, {transform_indices = #map}, {transform_indices = #map1}]} {
    %mul3A = arith.constant 2 : i32
    %mul3A_0 = arith.muli %arg1, %mul3A : i32
    %add3A = arith.addi %mul3A_0, %arg0 : i32
    %mul3A_1 = arith.constant 632 : i32
    %mul3A_2 = arith.muli %arg1, %mul3A_1 : i32
    %mul3A_3 = arith.constant 632 : i32
    %mul3A_4 = arith.muli %arg1, %mul3A_3 : i32
    "tpu.region"() ({
      %run_scoped3A = tpu.sem_alloc : memref<!tpu.dma_semaphore, #tpu.memory_space<semaphore_mem>>
      %dma_start3A = arith.constant 0 : i32
      %dma_start3A_19 = tpu.memref_slice %arg10[%mul3A_4, %dma_start3A] : memref<10112x16xf32, #tpu.memory_space<vmem_shared>> -> memref<632x16xf32, #tpu.memory_space<vmem_shared>>
      %dma_start3A_20 = arith.constant 0 : i32
      %dma_start3A_21 = tpu.memref_slice %arg5[%mul3A_2, %dma_start3A_20] : memref<10112x16xf32, #tpu.memory_space<hbm>> -> memref<632x16xf32, #tpu.memory_space<hbm>>
      tpu.enqueue_dma source(%dma_start3A_21 : memref<632x16xf32, #tpu.memory_space<hbm>>) target(%dma_start3A_19 : memref<632x16xf32, #tpu.memory_space<vmem_shared>>) target_semaphore(%run_scoped3A : memref<!tpu.dma_semaphore, #tpu.memory_space<semaphore_mem>>)
      %dma_wait3A = arith.constant 0 : i32
      %dma_wait3A_22 = tpu.memref_slice %arg10[%mul3A_4, %dma_wait3A] : memref<10112x16xf32, #tpu.memory_space<vmem_shared>> -> memref<632x16xf32, #tpu.memory_space<vmem_shared>>
      %dma_wait3A_23 = arith.constant 0 : i32
      %dma_wait3A_24 = tpu.memref_slice %arg5[%mul3A_2, %dma_wait3A_23] : memref<10112x16xf32, #tpu.memory_space<hbm>> -> memref<632x16xf32, #tpu.memory_space<hbm>>
      tpu.wait_dma2 semaphore(%run_scoped3A : memref<!tpu.dma_semaphore, #tpu.memory_space<semaphore_mem>>) src(%dma_wait3A_24 : memref<632x16xf32, #tpu.memory_space<hbm>>) dst(%dma_wait3A_22 : memref<632x16xf32, #tpu.memory_space<vmem_shared>>)
      tpu.yield
    }) : () -> ()
    %mul3A_5 = arith.constant 632 : i32
    %mul3A_6 = arith.muli %arg1, %mul3A_5 : i32
    %mul3A_7 = arith.constant 632 : i32
    %mul3A_8 = arith.muli %arg1, %mul3A_7 : i32
    "tpu.region"() ({
      %run_scoped3A = tpu.sem_alloc : memref<!tpu.dma_semaphore, #tpu.memory_space<semaphore_mem>>
      %dma_start3A = arith.constant 0 : i32
      %dma_start3A_19 = tpu.memref_slice %arg11[%mul3A_8, %dma_start3A] : memref<10112x16xf32, #tpu.memory_space<vmem_shared>> -> memref<632x16xf32, #tpu.memory_space<vmem_shared>>
      %dma_start3A_20 = arith.constant 0 : i32
      %dma_start3A_21 = tpu.memref_slice %arg2[%mul3A_6, %dma_start3A_20] : memref<10112x16xf32, #tpu.memory_space<hbm>> -> memref<632x16xf32, #tpu.memory_space<hbm>>
      tpu.enqueue_dma source(%dma_start3A_21 : memref<632x16xf32, #tpu.memory_space<hbm>>) target(%dma_start3A_19 : memref<632x16xf32, #tpu.memory_space<vmem_shared>>) target_semaphore(%run_scoped3A : memref<!tpu.dma_semaphore, #tpu.memory_space<semaphore_mem>>)
      %dma_wait3A = arith.constant 0 : i32
      %dma_wait3A_22 = tpu.memref_slice %arg11[%mul3A_8, %dma_wait3A] : memref<10112x16xf32, #tpu.memory_space<vmem_shared>> -> memref<632x16xf32, #tpu.memory_space<vmem_shared>>
      %dma_wait3A_23 = arith.constant 0 : i32
      %dma_wait3A_24 = tpu.memref_slice %arg2[%mul3A_6, %dma_wait3A_23] : memref<10112x16xf32, #tpu.memory_space<hbm>> -> memref<632x16xf32, #tpu.memory_space<hbm>>
      tpu.wait_dma2 semaphore(%run_scoped3A : memref<!tpu.dma_semaphore, #tpu.memory_space<semaphore_mem>>) src(%dma_wait3A_24 : memref<632x16xf32, #tpu.memory_space<hbm>>) dst(%dma_wait3A_22 : memref<632x16xf32, #tpu.memory_space<vmem_shared>>)
      tpu.yield
    }) : () -> ()
    "tpu.region"() ({
      %run_scoped3A = tpu.sem_alloc : memref<!tpu.dma_semaphore, #tpu.memory_space<semaphore_mem>>
      %dma_start3A = arith.constant 0 : i32
      %dma_start3A_19 = arith.constant 0 : i32
      %dma_start3A_20 = tpu.memref_slice %arg3[%add3A, %dma_start3A, %dma_start3A_19] : memref<32x80x128xi32, #tpu.memory_space<hbm>> -> memref<1x80x128xi32, #tpu.memory_space<hbm>>
      %dma_start3A_21 = tpu.memref_squeeze %dma_start3A_20 : memref<1x80x128xi32, #tpu.memory_space<hbm>> -> memref<80x128xi32, #tpu.memory_space<hbm>>
      %dma_start3A_22 = arith.constant 0 : i32
      %dma_start3A_23 = arith.constant 0 : i32
      %dma_start3A_24 = tpu.memref_slice %arg3[%add3A, %dma_start3A_22, %dma_start3A_23] : memref<32x80x128xi32, #tpu.memory_space<hbm>> -> memref<1x80x128xi32, #tpu.memory_space<hbm>>
      %dma_start3A_25 = tpu.memref_squeeze %dma_start3A_24 : memref<1x80x128xi32, #tpu.memory_space<hbm>> -> memref<80x128xi32, #tpu.memory_space<hbm>>
      tpu.enqueue_dma source(%dma_start3A_25 : memref<80x128xi32, #tpu.memory_space<hbm>>) target(%arg7 : memref<80x128xi32, #tpu.memory_space<vmem>>) target_semaphore(%run_scoped3A : memref<!tpu.dma_semaphore, #tpu.memory_space<semaphore_mem>>)
      %dma_wait3A = arith.constant 0 : i32
      %dma_wait3A_26 = arith.constant 0 : i32
      %dma_wait3A_27 = tpu.memref_slice %arg3[%add3A, %dma_wait3A, %dma_wait3A_26] : memref<32x80x128xi32, #tpu.memory_space<hbm>> -> memref<1x80x128xi32, #tpu.memory_space<hbm>>
      %dma_wait3A_28 = tpu.memref_squeeze %dma_wait3A_27 : memref<1x80x128xi32, #tpu.memory_space<hbm>> -> memref<80x128xi32, #tpu.memory_space<hbm>>
      %dma_wait3A_29 = arith.constant 0 : i32
      %dma_wait3A_30 = arith.constant 0 : i32
      %dma_wait3A_31 = tpu.memref_slice %arg3[%add3A, %dma_wait3A_29, %dma_wait3A_30] : memref<32x80x128xi32, #tpu.memory_space<hbm>> -> memref<1x80x128xi32, #tpu.memory_space<hbm>>
      %dma_wait3A_32 = tpu.memref_squeeze %dma_wait3A_31 : memref<1x80x128xi32, #tpu.memory_space<hbm>> -> memref<80x128xi32, #tpu.memory_space<hbm>>
      tpu.wait_dma2 semaphore(%run_scoped3A : memref<!tpu.dma_semaphore, #tpu.memory_space<semaphore_mem>>) src(%dma_wait3A_32 : memref<80x128xi32, #tpu.memory_space<hbm>>) dst(%arg7 : memref<80x128xi32, #tpu.memory_space<vmem>>)
      tpu.yield
    }) : () -> ()
    "tpu.region"() ({
      %run_scoped3A = tpu.sem_alloc : memref<!tpu.dma_semaphore, #tpu.memory_space<semaphore_mem>>
      %dma_start3A = arith.constant 0 : i32
      %dma_start3A_19 = arith.constant 0 : i32
      %dma_start3A_20 = tpu.memref_slice %arg4[%add3A, %dma_start3A, %dma_start3A_19] : memref<32x80x128xi32, #tpu.memory_space<hbm>> -> memref<1x80x128xi32, #tpu.memory_space<hbm>>
      %dma_start3A_21 = tpu.memref_squeeze %dma_start3A_20 : memref<1x80x128xi32, #tpu.memory_space<hbm>> -> memref<80x128xi32, #tpu.memory_space<hbm>>
      %dma_start3A_22 = arith.constant 0 : i32
      %dma_start3A_23 = arith.constant 0 : i32
      %dma_start3A_24 = tpu.memref_slice %arg4[%add3A, %dma_start3A_22, %dma_start3A_23] : memref<32x80x128xi32, #tpu.memory_space<hbm>> -> memref<1x80x128xi32, #tpu.memory_space<hbm>>
      %dma_start3A_25 = tpu.memref_squeeze %dma_start3A_24 : memref<1x80x128xi32, #tpu.memory_space<hbm>> -> memref<80x128xi32, #tpu.memory_space<hbm>>
      tpu.enqueue_dma source(%dma_start3A_25 : memref<80x128xi32, #tpu.memory_space<hbm>>) target(%arg8 : memref<80x128xi32, #tpu.memory_space<vmem>>) target_semaphore(%run_scoped3A : memref<!tpu.dma_semaphore, #tpu.memory_space<semaphore_mem>>)
      %dma_wait3A = arith.constant 0 : i32
      %dma_wait3A_26 = arith.constant 0 : i32
      %dma_wait3A_27 = tpu.memref_slice %arg4[%add3A, %dma_wait3A, %dma_wait3A_26] : memref<32x80x128xi32, #tpu.memory_space<hbm>> -> memref<1x80x128xi32, #tpu.memory_space<hbm>>
      %dma_wait3A_28 = tpu.memref_squeeze %dma_wait3A_27 : memref<1x80x128xi32, #tpu.memory_space<hbm>> -> memref<80x128xi32, #tpu.memory_space<hbm>>
      %dma_wait3A_29 = arith.constant 0 : i32
      %dma_wait3A_30 = arith.constant 0 : i32
      %dma_wait3A_31 = tpu.memref_slice %arg4[%add3A, %dma_wait3A_29, %dma_wait3A_30] : memref<32x80x128xi32, #tpu.memory_space<hbm>> -> memref<1x80x128xi32, #tpu.memory_space<hbm>>
      %dma_wait3A_32 = tpu.memref_squeeze %dma_wait3A_31 : memref<1x80x128xi32, #tpu.memory_space<hbm>> -> memref<80x128xi32, #tpu.memory_space<hbm>>
      tpu.wait_dma2 semaphore(%run_scoped3A : memref<!tpu.dma_semaphore, #tpu.memory_space<semaphore_mem>>) src(%dma_wait3A_32 : memref<80x128xi32, #tpu.memory_space<hbm>>) dst(%arg8 : memref<80x128xi32, #tpu.memory_space<vmem>>)
      tpu.yield
    }) : () -> ()
    %barrier3A = arith.constant 0 : index
    tpu.barrier barrier_id(%barrier3A)
    %scan3A = arith.constant 0 : i32
    %scan3A_9 = arith.constant 0 : i32
    %scan3A_10 = arith.constant 20 : i32
    %scan3A_11 = arith.addi %scan3A_9, %scan3A_10 : i32
    %scan3A_12 = arith.constant 1 : i32
    scf.for %scan3A_19 = %scan3A_9 to %scan3A_11 step %scan3A_12  : i32 {
      %mul3A_20 = arith.constant 4 : i32
      %mul3A_21 = arith.muli %scan3A_19, %mul3A_20 : i32
      %add3A_22 = arith.constant 0 : i32
      %add3A_23 = arith.addi %mul3A_21, %add3A_22 : i32
      %dma_start3A = arith.constant 0 : i32
      %dma_start3A_24 = arith.constant 0 : i32
      %dma_start3A_25 = arith.constant 0 : i32
      %dma_start3A_26 = tpu.memref_slice %arg9[%dma_start3A, %dma_start3A_24, %dma_start3A_25] : memref<4x128x16xf32, #tpu.memory_space<vmem>> -> memref<1x128x16xf32, #tpu.memory_space<vmem>>
      %dma_start3A_27 = tpu.memref_squeeze %dma_start3A_26 : memref<1x128x16xf32, #tpu.memory_space<vmem>> -> memref<128x16xf32, #tpu.memory_space<vmem>>
      %dma_start3A_28 = arith.constant 0 : i32
      %dma_start3A_29 = tpu.memref_slice %arg7[%add3A_23, %dma_start3A_28] : memref<80x128xi32, #tpu.memory_space<vmem>> -> memref<1x128xi32, #tpu.memory_space<vmem>>
      %dma_start3A_30 = tpu.memref_squeeze %dma_start3A_29 : memref<1x128xi32, #tpu.memory_space<vmem>> -> memref<128xi32, #tpu.memory_space<vmem>>
      %dma_start3A_31 = arith.constant 0 : i32
      %dma_start3A_32 = arith.constant 0 : i32
      %dma_start3A_33 = tpu.memref_slice %arg11[%dma_start3A_31, %dma_start3A_32] : memref<10112x16xf32, #tpu.memory_space<vmem_shared>> -> memref<10112x16xf32, #tpu.memory_space<vmem_shared>>
      tpu.enqueue_indirect_dma source(%dma_start3A_33 : memref<10112x16xf32, #tpu.memory_space<vmem_shared>>) target(%dma_start3A_27 : memref<128x16xf32, #tpu.memory_space<vmem>>) offsets(%dma_start3A_30 : memref<128xi32, #tpu.memory_space<vmem>>) semaphore(%arg12 : memref<!tpu.dma_semaphore, #tpu.memory_space<semaphore_mem>>)
      %add3A_34 = arith.constant 1 : i32
      %add3A_35 = arith.addi %mul3A_21, %add3A_34 : i32
      %dma_start3A_36 = arith.constant 1 : i32
      %dma_start3A_37 = arith.constant 0 : i32
      %dma_start3A_38 = arith.constant 0 : i32
      %dma_start3A_39 = tpu.memref_slice %arg9[%dma_start3A_36, %dma_start3A_37, %dma_start3A_38] : memref<4x128x16xf32, #tpu.memory_space<vmem>> -> memref<1x128x16xf32, #tpu.memory_space<vmem>>
      %dma_start3A_40 = tpu.memref_squeeze %dma_start3A_39 : memref<1x128x16xf32, #tpu.memory_space<vmem>> -> memref<128x16xf32, #tpu.memory_space<vmem>>
      %dma_start3A_41 = arith.constant 0 : i32
      %dma_start3A_42 = tpu.memref_slice %arg7[%add3A_35, %dma_start3A_41] : memref<80x128xi32, #tpu.memory_space<vmem>> -> memref<1x128xi32, #tpu.memory_space<vmem>>
      %dma_start3A_43 = tpu.memref_squeeze %dma_start3A_42 : memref<1x128xi32, #tpu.memory_space<vmem>> -> memref<128xi32, #tpu.memory_space<vmem>>
      %dma_start3A_44 = arith.constant 0 : i32
      %dma_start3A_45 = arith.constant 0 : i32
      %dma_start3A_46 = tpu.memref_slice %arg11[%dma_start3A_44, %dma_start3A_45] : memref<10112x16xf32, #tpu.memory_space<vmem_shared>> -> memref<10112x16xf32, #tpu.memory_space<vmem_shared>>
      tpu.enqueue_indirect_dma source(%dma_start3A_46 : memref<10112x16xf32, #tpu.memory_space<vmem_shared>>) target(%dma_start3A_40 : memref<128x16xf32, #tpu.memory_space<vmem>>) offsets(%dma_start3A_43 : memref<128xi32, #tpu.memory_space<vmem>>) semaphore(%arg13 : memref<!tpu.dma_semaphore, #tpu.memory_space<semaphore_mem>>)
      %add3A_47 = arith.constant 2 : i32
      %add3A_48 = arith.addi %mul3A_21, %add3A_47 : i32
      %dma_start3A_49 = arith.constant 2 : i32
      %dma_start3A_50 = arith.constant 0 : i32
      %dma_start3A_51 = arith.constant 0 : i32
      %dma_start3A_52 = tpu.memref_slice %arg9[%dma_start3A_49, %dma_start3A_50, %dma_start3A_51] : memref<4x128x16xf32, #tpu.memory_space<vmem>> -> memref<1x128x16xf32, #tpu.memory_space<vmem>>
      %dma_start3A_53 = tpu.memref_squeeze %dma_start3A_52 : memref<1x128x16xf32, #tpu.memory_space<vmem>> -> memref<128x16xf32, #tpu.memory_space<vmem>>
      %dma_start3A_54 = arith.constant 0 : i32
      %dma_start3A_55 = tpu.memref_slice %arg7[%add3A_48, %dma_start3A_54] : memref<80x128xi32, #tpu.memory_space<vmem>> -> memref<1x128xi32, #tpu.memory_space<vmem>>
      %dma_start3A_56 = tpu.memref_squeeze %dma_start3A_55 : memref<1x128xi32, #tpu.memory_space<vmem>> -> memref<128xi32, #tpu.memory_space<vmem>>
      %dma_start3A_57 = arith.constant 0 : i32
      %dma_start3A_58 = arith.constant 0 : i32
      %dma_start3A_59 = tpu.memref_slice %arg11[%dma_start3A_57, %dma_start3A_58] : memref<10112x16xf32, #tpu.memory_space<vmem_shared>> -> memref<10112x16xf32, #tpu.memory_space<vmem_shared>>
      tpu.enqueue_indirect_dma source(%dma_start3A_59 : memref<10112x16xf32, #tpu.memory_space<vmem_shared>>) target(%dma_start3A_53 : memref<128x16xf32, #tpu.memory_space<vmem>>) offsets(%dma_start3A_56 : memref<128xi32, #tpu.memory_space<vmem>>) semaphore(%arg14 : memref<!tpu.dma_semaphore, #tpu.memory_space<semaphore_mem>>)
      %add3A_60 = arith.constant 3 : i32
      %add3A_61 = arith.addi %mul3A_21, %add3A_60 : i32
      %dma_start3A_62 = arith.constant 3 : i32
      %dma_start3A_63 = arith.constant 0 : i32
      %dma_start3A_64 = arith.constant 0 : i32
      %dma_start3A_65 = tpu.memref_slice %arg9[%dma_start3A_62, %dma_start3A_63, %dma_start3A_64] : memref<4x128x16xf32, #tpu.memory_space<vmem>> -> memref<1x128x16xf32, #tpu.memory_space<vmem>>
      %dma_start3A_66 = tpu.memref_squeeze %dma_start3A_65 : memref<1x128x16xf32, #tpu.memory_space<vmem>> -> memref<128x16xf32, #tpu.memory_space<vmem>>
      %dma_start3A_67 = arith.constant 0 : i32
      %dma_start3A_68 = tpu.memref_slice %arg7[%add3A_61, %dma_start3A_67] : memref<80x128xi32, #tpu.memory_space<vmem>> -> memref<1x128xi32, #tpu.memory_space<vmem>>
      %dma_start3A_69 = tpu.memref_squeeze %dma_start3A_68 : memref<1x128xi32, #tpu.memory_space<vmem>> -> memref<128xi32, #tpu.memory_space<vmem>>
      %dma_start3A_70 = arith.constant 0 : i32
      %dma_start3A_71 = arith.constant 0 : i32
      %dma_start3A_72 = tpu.memref_slice %arg11[%dma_start3A_70, %dma_start3A_71] : memref<10112x16xf32, #tpu.memory_space<vmem_shared>> -> memref<10112x16xf32, #tpu.memory_space<vmem_shared>>
      tpu.enqueue_indirect_dma source(%dma_start3A_72 : memref<10112x16xf32, #tpu.memory_space<vmem_shared>>) target(%dma_start3A_66 : memref<128x16xf32, #tpu.memory_space<vmem>>) offsets(%dma_start3A_69 : memref<128xi32, #tpu.memory_space<vmem>>) semaphore(%arg15 : memref<!tpu.dma_semaphore, #tpu.memory_space<semaphore_mem>>)
      %dma_wait3A = arith.constant 0 : i32
      %dma_wait3A_73 = arith.constant 0 : i32
      %dma_wait3A_74 = arith.constant 0 : i32
      %dma_wait3A_75 = tpu.memref_slice %arg9[%dma_wait3A, %dma_wait3A_73, %dma_wait3A_74] : memref<4x128x16xf32, #tpu.memory_space<vmem>> -> memref<1x128x16xf32, #tpu.memory_space<vmem>>
      %dma_wait3A_76 = tpu.memref_squeeze %dma_wait3A_75 : memref<1x128x16xf32, #tpu.memory_space<vmem>> -> memref<128x16xf32, #tpu.memory_space<vmem>>
      %dma_wait3A_77 = arith.constant 0 : i32
      %dma_wait3A_78 = tpu.memref_slice %arg7[%add3A_23, %dma_wait3A_77] : memref<80x128xi32, #tpu.memory_space<vmem>> -> memref<1x128xi32, #tpu.memory_space<vmem>>
      %dma_wait3A_79 = tpu.memref_squeeze %dma_wait3A_78 : memref<1x128xi32, #tpu.memory_space<vmem>> -> memref<128xi32, #tpu.memory_space<vmem>>
      %dma_wait3A_80 = arith.constant 0 : i32
      %dma_wait3A_81 = arith.constant 0 : i32
      %dma_wait3A_82 = tpu.memref_slice %arg11[%dma_wait3A_80, %dma_wait3A_81] : memref<10112x16xf32, #tpu.memory_space<vmem_shared>> -> memref<10112x16xf32, #tpu.memory_space<vmem_shared>>
      tpu.wait_indirect_dma semaphore(%arg12 : memref<!tpu.dma_semaphore, #tpu.memory_space<semaphore_mem>>) src(%dma_wait3A_82 : memref<10112x16xf32, #tpu.memory_space<vmem_shared>>) dst(%dma_wait3A_76 : memref<128x16xf32, #tpu.memory_space<vmem>>)
      %add3A_83 = arith.constant 0 : i32
      %add3A_84 = arith.addi %mul3A_21, %add3A_83 : i32
      %run_scoped3A = arith.constant 0 : i32
      "tpu.region"() ({
        %run_scoped3A_127 = tpu.sem_alloc : memref<!tpu.dma_semaphore, #tpu.memory_space<semaphore_mem>>
        %dma_start3A_128 = arith.constant 0 : i32
        %dma_start3A_129 = arith.constant 0 : i32
        %dma_start3A_130 = tpu.memref_slice %arg9[%run_scoped3A, %dma_start3A_128, %dma_start3A_129] : memref<4x128x16xf32, #tpu.memory_space<vmem>> -> memref<1x128x16xf32, #tpu.memory_space<vmem>>
        %dma_start3A_131 = tpu.memref_squeeze %dma_start3A_130 : memref<1x128x16xf32, #tpu.memory_space<vmem>> -> memref<128x16xf32, #tpu.memory_space<vmem>>
        %dma_start3A_132 = arith.constant 0 : i32
        %dma_start3A_133 = tpu.memref_slice %arg8[%add3A_84, %dma_start3A_132] : memref<80x128xi32, #tpu.memory_space<vmem>> -> memref<1x128xi32, #tpu.memory_space<vmem>>
        %dma_start3A_134 = tpu.memref_squeeze %dma_start3A_133 : memref<1x128xi32, #tpu.memory_space<vmem>> -> memref<128xi32, #tpu.memory_space<vmem>>
        %dma_start3A_135 = arith.constant 0 : i32
        %dma_start3A_136 = arith.constant 0 : i32
        %dma_start3A_137 = tpu.memref_slice %arg10[%dma_start3A_135, %dma_start3A_136] : memref<10112x16xf32, #tpu.memory_space<vmem_shared>> -> memref<10112x16xf32, #tpu.memory_space<vmem_shared>>
        tpu.enqueue_indirect_dma source(%dma_start3A_131 : memref<128x16xf32, #tpu.memory_space<vmem>>) target(%dma_start3A_137 : memref<10112x16xf32, #tpu.memory_space<vmem_shared>>) offsets(%dma_start3A_134 : memref<128xi32, #tpu.memory_space<vmem>>) semaphore(%run_scoped3A_127 : memref<!tpu.dma_semaphore, #tpu.memory_space<semaphore_mem>>) {add = true}
        %dma_wait3A_138 = arith.constant 0 : i32
        %dma_wait3A_139 = arith.constant 0 : i32
        %dma_wait3A_140 = tpu.memref_slice %arg9[%run_scoped3A, %dma_wait3A_138, %dma_wait3A_139] : memref<4x128x16xf32, #tpu.memory_space<vmem>> -> memref<1x128x16xf32, #tpu.memory_space<vmem>>
        %dma_wait3A_141 = tpu.memref_squeeze %dma_wait3A_140 : memref<1x128x16xf32, #tpu.memory_space<vmem>> -> memref<128x16xf32, #tpu.memory_space<vmem>>
        %dma_wait3A_142 = arith.constant 0 : i32
        %dma_wait3A_143 = tpu.memref_slice %arg8[%add3A_84, %dma_wait3A_142] : memref<80x128xi32, #tpu.memory_space<vmem>> -> memref<1x128xi32, #tpu.memory_space<vmem>>
        %dma_wait3A_144 = tpu.memref_squeeze %dma_wait3A_143 : memref<1x128xi32, #tpu.memory_space<vmem>> -> memref<128xi32, #tpu.memory_space<vmem>>
        %dma_wait3A_145 = arith.constant 0 : i32
        %dma_wait3A_146 = arith.constant 0 : i32
        %dma_wait3A_147 = tpu.memref_slice %arg10[%dma_wait3A_145, %dma_wait3A_146] : memref<10112x16xf32, #tpu.memory_space<vmem_shared>> -> memref<10112x16xf32, #tpu.memory_space<vmem_shared>>
        tpu.wait_indirect_dma semaphore(%run_scoped3A_127 : memref<!tpu.dma_semaphore, #tpu.memory_space<semaphore_mem>>) src(%dma_wait3A_141 : memref<128x16xf32, #tpu.memory_space<vmem>>) dst(%dma_wait3A_147 : memref<10112x16xf32, #tpu.memory_space<vmem_shared>>)
        tpu.yield
      }) : () -> ()
      %dma_wait3A_85 = arith.constant 1 : i32
      %dma_wait3A_86 = arith.constant 0 : i32
      %dma_wait3A_87 = arith.constant 0 : i32
      %dma_wait3A_88 = tpu.memref_slice %arg9[%dma_wait3A_85, %dma_wait3A_86, %dma_wait3A_87] : memref<4x128x16xf32, #tpu.memory_space<vmem>> -> memref<1x128x16xf32, #tpu.memory_space<vmem>>
      %dma_wait3A_89 = tpu.memref_squeeze %dma_wait3A_88 : memref<1x128x16xf32, #tpu.memory_space<vmem>> -> memref<128x16xf32, #tpu.memory_space<vmem>>
      %dma_wait3A_90 = arith.constant 0 : i32
      %dma_wait3A_91 = tpu.memref_slice %arg7[%add3A_35, %dma_wait3A_90] : memref<80x128xi32, #tpu.memory_space<vmem>> -> memref<1x128xi32, #tpu.memory_space<vmem>>
      %dma_wait3A_92 = tpu.memref_squeeze %dma_wait3A_91 : memref<1x128xi32, #tpu.memory_space<vmem>> -> memref<128xi32, #tpu.memory_space<vmem>>
      %dma_wait3A_93 = arith.constant 0 : i32
      %dma_wait3A_94 = arith.constant 0 : i32
      %dma_wait3A_95 = tpu.memref_slice %arg11[%dma_wait3A_93, %dma_wait3A_94] : memref<10112x16xf32, #tpu.memory_space<vmem_shared>> -> memref<10112x16xf32, #tpu.memory_space<vmem_shared>>
      tpu.wait_indirect_dma semaphore(%arg13 : memref<!tpu.dma_semaphore, #tpu.memory_space<semaphore_mem>>) src(%dma_wait3A_95 : memref<10112x16xf32, #tpu.memory_space<vmem_shared>>) dst(%dma_wait3A_89 : memref<128x16xf32, #tpu.memory_space<vmem>>)
      %add3A_96 = arith.constant 1 : i32
      %add3A_97 = arith.addi %mul3A_21, %add3A_96 : i32
      %run_scoped3A_98 = arith.constant 1 : i32
      "tpu.region"() ({
        %run_scoped3A_127 = tpu.sem_alloc : memref<!tpu.dma_semaphore, #tpu.memory_space<semaphore_mem>>
        %dma_start3A_128 = arith.constant 0 : i32
        %dma_start3A_129 = arith.constant 0 : i32
        %dma_start3A_130 = tpu.memref_slice %arg9[%run_scoped3A_98, %dma_start3A_128, %dma_start3A_129] : memref<4x128x16xf32, #tpu.memory_space<vmem>> -> memref<1x128x16xf32, #tpu.memory_space<vmem>>
        %dma_start3A_131 = tpu.memref_squeeze %dma_start3A_130 : memref<1x128x16xf32, #tpu.memory_space<vmem>> -> memref<128x16xf32, #tpu.memory_space<vmem>>
        %dma_start3A_132 = arith.constant 0 : i32
        %dma_start3A_133 = tpu.memref_slice %arg8[%add3A_97, %dma_start3A_132] : memref<80x128xi32, #tpu.memory_space<vmem>> -> memref<1x128xi32, #tpu.memory_space<vmem>>
        %dma_start3A_134 = tpu.memref_squeeze %dma_start3A_133 : memref<1x128xi32, #tpu.memory_space<vmem>> -> memref<128xi32, #tpu.memory_space<vmem>>
        %dma_start3A_135 = arith.constant 0 : i32
        %dma_start3A_136 = arith.constant 0 : i32
        %dma_start3A_137 = tpu.memref_slice %arg10[%dma_start3A_135, %dma_start3A_136] : memref<10112x16xf32, #tpu.memory_space<vmem_shared>> -> memref<10112x16xf32, #tpu.memory_space<vmem_shared>>
        tpu.enqueue_indirect_dma source(%dma_start3A_131 : memref<128x16xf32, #tpu.memory_space<vmem>>) target(%dma_start3A_137 : memref<10112x16xf32, #tpu.memory_space<vmem_shared>>) offsets(%dma_start3A_134 : memref<128xi32, #tpu.memory_space<vmem>>) semaphore(%run_scoped3A_127 : memref<!tpu.dma_semaphore, #tpu.memory_space<semaphore_mem>>) {add = true}
        %dma_wait3A_138 = arith.constant 0 : i32
        %dma_wait3A_139 = arith.constant 0 : i32
        %dma_wait3A_140 = tpu.memref_slice %arg9[%run_scoped3A_98, %dma_wait3A_138, %dma_wait3A_139] : memref<4x128x16xf32, #tpu.memory_space<vmem>> -> memref<1x128x16xf32, #tpu.memory_space<vmem>>
        %dma_wait3A_141 = tpu.memref_squeeze %dma_wait3A_140 : memref<1x128x16xf32, #tpu.memory_space<vmem>> -> memref<128x16xf32, #tpu.memory_space<vmem>>
        %dma_wait3A_142 = arith.constant 0 : i32
        %dma_wait3A_143 = tpu.memref_slice %arg8[%add3A_97, %dma_wait3A_142] : memref<80x128xi32, #tpu.memory_space<vmem>> -> memref<1x128xi32, #tpu.memory_space<vmem>>
        %dma_wait3A_144 = tpu.memref_squeeze %dma_wait3A_143 : memref<1x128xi32, #tpu.memory_space<vmem>> -> memref<128xi32, #tpu.memory_space<vmem>>
        %dma_wait3A_145 = arith.constant 0 : i32
        %dma_wait3A_146 = arith.constant 0 : i32
        %dma_wait3A_147 = tpu.memref_slice %arg10[%dma_wait3A_145, %dma_wait3A_146] : memref<10112x16xf32, #tpu.memory_space<vmem_shared>> -> memref<10112x16xf32, #tpu.memory_space<vmem_shared>>
        tpu.wait_indirect_dma semaphore(%run_scoped3A_127 : memref<!tpu.dma_semaphore, #tpu.memory_space<semaphore_mem>>) src(%dma_wait3A_141 : memref<128x16xf32, #tpu.memory_space<vmem>>) dst(%dma_wait3A_147 : memref<10112x16xf32, #tpu.memory_space<vmem_shared>>)
        tpu.yield
      }) : () -> ()
      %dma_wait3A_99 = arith.constant 2 : i32
      %dma_wait3A_100 = arith.constant 0 : i32
      %dma_wait3A_101 = arith.constant 0 : i32
      %dma_wait3A_102 = tpu.memref_slice %arg9[%dma_wait3A_99, %dma_wait3A_100, %dma_wait3A_101] : memref<4x128x16xf32, #tpu.memory_space<vmem>> -> memref<1x128x16xf32, #tpu.memory_space<vmem>>
      %dma_wait3A_103 = tpu.memref_squeeze %dma_wait3A_102 : memref<1x128x16xf32, #tpu.memory_space<vmem>> -> memref<128x16xf32, #tpu.memory_space<vmem>>
      %dma_wait3A_104 = arith.constant 0 : i32
      %dma_wait3A_105 = tpu.memref_slice %arg7[%add3A_48, %dma_wait3A_104] : memref<80x128xi32, #tpu.memory_space<vmem>> -> memref<1x128xi32, #tpu.memory_space<vmem>>
      %dma_wait3A_106 = tpu.memref_squeeze %dma_wait3A_105 : memref<1x128xi32, #tpu.memory_space<vmem>> -> memref<128xi32, #tpu.memory_space<vmem>>
      %dma_wait3A_107 = arith.constant 0 : i32
      %dma_wait3A_108 = arith.constant 0 : i32
      %dma_wait3A_109 = tpu.memref_slice %arg11[%dma_wait3A_107, %dma_wait3A_108] : memref<10112x16xf32, #tpu.memory_space<vmem_shared>> -> memref<10112x16xf32, #tpu.memory_space<vmem_shared>>
      tpu.wait_indirect_dma semaphore(%arg14 : memref<!tpu.dma_semaphore, #tpu.memory_space<semaphore_mem>>) src(%dma_wait3A_109 : memref<10112x16xf32, #tpu.memory_space<vmem_shared>>) dst(%dma_wait3A_103 : memref<128x16xf32, #tpu.memory_space<vmem>>)
      %add3A_110 = arith.constant 2 : i32
      %add3A_111 = arith.addi %mul3A_21, %add3A_110 : i32
      %run_scoped3A_112 = arith.constant 2 : i32
      "tpu.region"() ({
        %run_scoped3A_127 = tpu.sem_alloc : memref<!tpu.dma_semaphore, #tpu.memory_space<semaphore_mem>>
        %dma_start3A_128 = arith.constant 0 : i32
        %dma_start3A_129 = arith.constant 0 : i32
        %dma_start3A_130 = tpu.memref_slice %arg9[%run_scoped3A_112, %dma_start3A_128, %dma_start3A_129] : memref<4x128x16xf32, #tpu.memory_space<vmem>> -> memref<1x128x16xf32, #tpu.memory_space<vmem>>
        %dma_start3A_131 = tpu.memref_squeeze %dma_start3A_130 : memref<1x128x16xf32, #tpu.memory_space<vmem>> -> memref<128x16xf32, #tpu.memory_space<vmem>>
        %dma_start3A_132 = arith.constant 0 : i32
        %dma_start3A_133 = tpu.memref_slice %arg8[%add3A_111, %dma_start3A_132] : memref<80x128xi32, #tpu.memory_space<vmem>> -> memref<1x128xi32, #tpu.memory_space<vmem>>
        %dma_start3A_134 = tpu.memref_squeeze %dma_start3A_133 : memref<1x128xi32, #tpu.memory_space<vmem>> -> memref<128xi32, #tpu.memory_space<vmem>>
        %dma_start3A_135 = arith.constant 0 : i32
        %dma_start3A_136 = arith.constant 0 : i32
        %dma_start3A_137 = tpu.memref_slice %arg10[%dma_start3A_135, %dma_start3A_136] : memref<10112x16xf32, #tpu.memory_space<vmem_shared>> -> memref<10112x16xf32, #tpu.memory_space<vmem_shared>>
        tpu.enqueue_indirect_dma source(%dma_start3A_131 : memref<128x16xf32, #tpu.memory_space<vmem>>) target(%dma_start3A_137 : memref<10112x16xf32, #tpu.memory_space<vmem_shared>>) offsets(%dma_start3A_134 : memref<128xi32, #tpu.memory_space<vmem>>) semaphore(%run_scoped3A_127 : memref<!tpu.dma_semaphore, #tpu.memory_space<semaphore_mem>>) {add = true}
        %dma_wait3A_138 = arith.constant 0 : i32
        %dma_wait3A_139 = arith.constant 0 : i32
        %dma_wait3A_140 = tpu.memref_slice %arg9[%run_scoped3A_112, %dma_wait3A_138, %dma_wait3A_139] : memref<4x128x16xf32, #tpu.memory_space<vmem>> -> memref<1x128x16xf32, #tpu.memory_space<vmem>>
        %dma_wait3A_141 = tpu.memref_squeeze %dma_wait3A_140 : memref<1x128x16xf32, #tpu.memory_space<vmem>> -> memref<128x16xf32, #tpu.memory_space<vmem>>
        %dma_wait3A_142 = arith.constant 0 : i32
        %dma_wait3A_143 = tpu.memref_slice %arg8[%add3A_111, %dma_wait3A_142] : memref<80x128xi32, #tpu.memory_space<vmem>> -> memref<1x128xi32, #tpu.memory_space<vmem>>
        %dma_wait3A_144 = tpu.memref_squeeze %dma_wait3A_143 : memref<1x128xi32, #tpu.memory_space<vmem>> -> memref<128xi32, #tpu.memory_space<vmem>>
        %dma_wait3A_145 = arith.constant 0 : i32
        %dma_wait3A_146 = arith.constant 0 : i32
        %dma_wait3A_147 = tpu.memref_slice %arg10[%dma_wait3A_145, %dma_wait3A_146] : memref<10112x16xf32, #tpu.memory_space<vmem_shared>> -> memref<10112x16xf32, #tpu.memory_space<vmem_shared>>
        tpu.wait_indirect_dma semaphore(%run_scoped3A_127 : memref<!tpu.dma_semaphore, #tpu.memory_space<semaphore_mem>>) src(%dma_wait3A_141 : memref<128x16xf32, #tpu.memory_space<vmem>>) dst(%dma_wait3A_147 : memref<10112x16xf32, #tpu.memory_space<vmem_shared>>)
        tpu.yield
      }) : () -> ()
      %dma_wait3A_113 = arith.constant 3 : i32
      %dma_wait3A_114 = arith.constant 0 : i32
      %dma_wait3A_115 = arith.constant 0 : i32
      %dma_wait3A_116 = tpu.memref_slice %arg9[%dma_wait3A_113, %dma_wait3A_114, %dma_wait3A_115] : memref<4x128x16xf32, #tpu.memory_space<vmem>> -> memref<1x128x16xf32, #tpu.memory_space<vmem>>
      %dma_wait3A_117 = tpu.memref_squeeze %dma_wait3A_116 : memref<1x128x16xf32, #tpu.memory_space<vmem>> -> memref<128x16xf32, #tpu.memory_space<vmem>>
      %dma_wait3A_118 = arith.constant 0 : i32
      %dma_wait3A_119 = tpu.memref_slice %arg7[%add3A_61, %dma_wait3A_118] : memref<80x128xi32, #tpu.memory_space<vmem>> -> memref<1x128xi32, #tpu.memory_space<vmem>>
      %dma_wait3A_120 = tpu.memref_squeeze %dma_wait3A_119 : memref<1x128xi32, #tpu.memory_space<vmem>> -> memref<128xi32, #tpu.memory_space<vmem>>
      %dma_wait3A_121 = arith.constant 0 : i32
      %dma_wait3A_122 = arith.constant 0 : i32
      %dma_wait3A_123 = tpu.memref_slice %arg11[%dma_wait3A_121, %dma_wait3A_122] : memref<10112x16xf32, #tpu.memory_space<vmem_shared>> -> memref<10112x16xf32, #tpu.memory_space<vmem_shared>>
      tpu.wait_indirect_dma semaphore(%arg15 : memref<!tpu.dma_semaphore, #tpu.memory_space<semaphore_mem>>) src(%dma_wait3A_123 : memref<10112x16xf32, #tpu.memory_space<vmem_shared>>) dst(%dma_wait3A_117 : memref<128x16xf32, #tpu.memory_space<vmem>>)
      %add3A_124 = arith.constant 3 : i32
      %add3A_125 = arith.addi %mul3A_21, %add3A_124 : i32
      %run_scoped3A_126 = arith.constant 3 : i32
      "tpu.region"() ({
        %run_scoped3A_127 = tpu.sem_alloc : memref<!tpu.dma_semaphore, #tpu.memory_space<semaphore_mem>>
        %dma_start3A_128 = arith.constant 0 : i32
        %dma_start3A_129 = arith.constant 0 : i32
        %dma_start3A_130 = tpu.memref_slice %arg9[%run_scoped3A_126, %dma_start3A_128, %dma_start3A_129] : memref<4x128x16xf32, #tpu.memory_space<vmem>> -> memref<1x128x16xf32, #tpu.memory_space<vmem>>
        %dma_start3A_131 = tpu.memref_squeeze %dma_start3A_130 : memref<1x128x16xf32, #tpu.memory_space<vmem>> -> memref<128x16xf32, #tpu.memory_space<vmem>>
        %dma_start3A_132 = arith.constant 0 : i32
        %dma_start3A_133 = tpu.memref_slice %arg8[%add3A_125, %dma_start3A_132] : memref<80x128xi32, #tpu.memory_space<vmem>> -> memref<1x128xi32, #tpu.memory_space<vmem>>
        %dma_start3A_134 = tpu.memref_squeeze %dma_start3A_133 : memref<1x128xi32, #tpu.memory_space<vmem>> -> memref<128xi32, #tpu.memory_space<vmem>>
        %dma_start3A_135 = arith.constant 0 : i32
        %dma_start3A_136 = arith.constant 0 : i32
        %dma_start3A_137 = tpu.memref_slice %arg10[%dma_start3A_135, %dma_start3A_136] : memref<10112x16xf32, #tpu.memory_space<vmem_shared>> -> memref<10112x16xf32, #tpu.memory_space<vmem_shared>>
        tpu.enqueue_indirect_dma source(%dma_start3A_131 : memref<128x16xf32, #tpu.memory_space<vmem>>) target(%dma_start3A_137 : memref<10112x16xf32, #tpu.memory_space<vmem_shared>>) offsets(%dma_start3A_134 : memref<128xi32, #tpu.memory_space<vmem>>) semaphore(%run_scoped3A_127 : memref<!tpu.dma_semaphore, #tpu.memory_space<semaphore_mem>>) {add = true}
        %dma_wait3A_138 = arith.constant 0 : i32
        %dma_wait3A_139 = arith.constant 0 : i32
        %dma_wait3A_140 = tpu.memref_slice %arg9[%run_scoped3A_126, %dma_wait3A_138, %dma_wait3A_139] : memref<4x128x16xf32, #tpu.memory_space<vmem>> -> memref<1x128x16xf32, #tpu.memory_space<vmem>>
        %dma_wait3A_141 = tpu.memref_squeeze %dma_wait3A_140 : memref<1x128x16xf32, #tpu.memory_space<vmem>> -> memref<128x16xf32, #tpu.memory_space<vmem>>
        %dma_wait3A_142 = arith.constant 0 : i32
        %dma_wait3A_143 = tpu.memref_slice %arg8[%add3A_125, %dma_wait3A_142] : memref<80x128xi32, #tpu.memory_space<vmem>> -> memref<1x128xi32, #tpu.memory_space<vmem>>
        %dma_wait3A_144 = tpu.memref_squeeze %dma_wait3A_143 : memref<1x128xi32, #tpu.memory_space<vmem>> -> memref<128xi32, #tpu.memory_space<vmem>>
        %dma_wait3A_145 = arith.constant 0 : i32
        %dma_wait3A_146 = arith.constant 0 : i32
        %dma_wait3A_147 = tpu.memref_slice %arg10[%dma_wait3A_145, %dma_wait3A_146] : memref<10112x16xf32, #tpu.memory_space<vmem_shared>> -> memref<10112x16xf32, #tpu.memory_space<vmem_shared>>
        tpu.wait_indirect_dma semaphore(%run_scoped3A_127 : memref<!tpu.dma_semaphore, #tpu.memory_space<semaphore_mem>>) src(%dma_wait3A_141 : memref<128x16xf32, #tpu.memory_space<vmem>>) dst(%dma_wait3A_147 : memref<10112x16xf32, #tpu.memory_space<vmem_shared>>)
        tpu.yield
      }) : () -> ()
    }
    %scan3A_13 = arith.constant 20 : i32
    %barrier3A_14 = arith.constant 0 : index
    tpu.barrier barrier_id(%barrier3A_14)
    %mul3A_15 = arith.constant 632 : i32
    %mul3A_16 = arith.muli %arg1, %mul3A_15 : i32
    %mul3A_17 = arith.constant 632 : i32
    %mul3A_18 = arith.muli %arg1, %mul3A_17 : i32
    "tpu.region"() ({
      %run_scoped3A = tpu.sem_alloc : memref<!tpu.dma_semaphore, #tpu.memory_space<semaphore_mem>>
      %dma_start3A = arith.constant 0 : i32
      %dma_start3A_19 = tpu.memref_slice %arg6[%arg0, %mul3A_18, %dma_start3A] : memref<2x10112x16xf32, #tpu.memory_space<hbm>> -> memref<1x632x16xf32, #tpu.memory_space<hbm>>
      %dma_start3A_20 = tpu.memref_squeeze %dma_start3A_19 : memref<1x632x16xf32, #tpu.memory_space<hbm>> -> memref<632x16xf32, #tpu.memory_space<hbm>>
      %dma_start3A_21 = arith.constant 0 : i32
      %dma_start3A_22 = tpu.memref_slice %arg10[%mul3A_16, %dma_start3A_21] : memref<10112x16xf32, #tpu.memory_space<vmem_shared>> -> memref<632x16xf32, #tpu.memory_space<vmem_shared>>
      tpu.enqueue_dma source(%dma_start3A_22 : memref<632x16xf32, #tpu.memory_space<vmem_shared>>) target(%dma_start3A_20 : memref<632x16xf32, #tpu.memory_space<hbm>>) target_semaphore(%run_scoped3A : memref<!tpu.dma_semaphore, #tpu.memory_space<semaphore_mem>>)
      %dma_wait3A = arith.constant 0 : i32
      %dma_wait3A_23 = tpu.memref_slice %arg6[%arg0, %mul3A_18, %dma_wait3A] : memref<2x10112x16xf32, #tpu.memory_space<hbm>> -> memref<1x632x16xf32, #tpu.memory_space<hbm>>
      %dma_wait3A_24 = tpu.memref_squeeze %dma_wait3A_23 : memref<1x632x16xf32, #tpu.memory_space<hbm>> -> memref<632x16xf32, #tpu.memory_space<hbm>>
      %dma_wait3A_25 = arith.constant 0 : i32
      %dma_wait3A_26 = tpu.memref_slice %arg10[%mul3A_16, %dma_wait3A_25] : memref<10112x16xf32, #tpu.memory_space<vmem_shared>> -> memref<632x16xf32, #tpu.memory_space<vmem_shared>>
      tpu.wait_dma2 semaphore(%run_scoped3A : memref<!tpu.dma_semaphore, #tpu.memory_space<semaphore_mem>>) src(%dma_wait3A_26 : memref<632x16xf32, #tpu.memory_space<vmem_shared>>) dst(%dma_wait3A_24 : memref<632x16xf32, #tpu.memory_space<hbm>>)
      tpu.yield
    }) : () -> ()
    return
  }
}

#map = affine_map<(d0, d1) -> (0, 0)>
#map1 = affine_map<(d0, d1) -> (0, 0, 0)>
module attributes {stable_mosaic.version = 14 : i64} {
  func.func @_sc_pair_gather_body(%arg0: i32, %arg1: i32, %arg2: memref<10000x16xf32, #tpu.memory_space<hbm>>, %arg3: memref<32x4x128xi32, #tpu.memory_space<hbm>>, %arg4: memref<16384x16xf32, #tpu.memory_space<hbm>>, %arg5: memref<4x128xi32, #tpu.memory_space<vmem>>, %arg6: memref<512x16xf32, #tpu.memory_space<vmem>>, %arg7: memref<!tpu.dma_semaphore, #tpu.memory_space<semaphore_mem>>) attributes {dimension_semantics = [#tpu.dimension_semantics<core_parallel>, #tpu.dimension_semantics<subcore_parallel>], iteration_bounds = array<i64: 2, 16>, scalar_prefetch = 0 : i64, scratch_operands = 3 : i64, tpu.core_type = #tpu.core_type<sc_vector_subcore>, window_params = [{transform_indices = #map}, {transform_indices = #map1}, {transform_indices = #map}]} {
    %mul3A = arith.constant 2 : i32
    %mul3A_0 = arith.muli %arg1, %mul3A : i32
    %add3A = arith.addi %mul3A_0, %arg0 : i32
    "tpu.region"() ({
      %run_scoped3A = tpu.sem_alloc : memref<!tpu.dma_semaphore, #tpu.memory_space<semaphore_mem>>
      %dma_start3A_81 = arith.constant 0 : i32
      %dma_start3A_82 = arith.constant 0 : i32
      %dma_start3A_83 = tpu.memref_slice %arg3[%add3A, %dma_start3A_81, %dma_start3A_82] : memref<32x4x128xi32, #tpu.memory_space<hbm>> -> memref<1x4x128xi32, #tpu.memory_space<hbm>>
      %dma_start3A_84 = tpu.memref_squeeze %dma_start3A_83 : memref<1x4x128xi32, #tpu.memory_space<hbm>> -> memref<4x128xi32, #tpu.memory_space<hbm>>
      %dma_start3A_85 = arith.constant 0 : i32
      %dma_start3A_86 = arith.constant 0 : i32
      %dma_start3A_87 = tpu.memref_slice %arg3[%add3A, %dma_start3A_85, %dma_start3A_86] : memref<32x4x128xi32, #tpu.memory_space<hbm>> -> memref<1x4x128xi32, #tpu.memory_space<hbm>>
      %dma_start3A_88 = tpu.memref_squeeze %dma_start3A_87 : memref<1x4x128xi32, #tpu.memory_space<hbm>> -> memref<4x128xi32, #tpu.memory_space<hbm>>
      tpu.enqueue_dma source(%dma_start3A_88 : memref<4x128xi32, #tpu.memory_space<hbm>>) target(%arg5 : memref<4x128xi32, #tpu.memory_space<vmem>>) target_semaphore(%run_scoped3A : memref<!tpu.dma_semaphore, #tpu.memory_space<semaphore_mem>>)
      %dma_wait3A_89 = arith.constant 0 : i32
      %dma_wait3A_90 = arith.constant 0 : i32
      %dma_wait3A_91 = tpu.memref_slice %arg3[%add3A, %dma_wait3A_89, %dma_wait3A_90] : memref<32x4x128xi32, #tpu.memory_space<hbm>> -> memref<1x4x128xi32, #tpu.memory_space<hbm>>
      %dma_wait3A_92 = tpu.memref_squeeze %dma_wait3A_91 : memref<1x4x128xi32, #tpu.memory_space<hbm>> -> memref<4x128xi32, #tpu.memory_space<hbm>>
      %dma_wait3A_93 = arith.constant 0 : i32
      %dma_wait3A_94 = arith.constant 0 : i32
      %dma_wait3A_95 = tpu.memref_slice %arg3[%add3A, %dma_wait3A_93, %dma_wait3A_94] : memref<32x4x128xi32, #tpu.memory_space<hbm>> -> memref<1x4x128xi32, #tpu.memory_space<hbm>>
      %dma_wait3A_96 = tpu.memref_squeeze %dma_wait3A_95 : memref<1x4x128xi32, #tpu.memory_space<hbm>> -> memref<4x128xi32, #tpu.memory_space<hbm>>
      tpu.wait_dma2 semaphore(%run_scoped3A : memref<!tpu.dma_semaphore, #tpu.memory_space<semaphore_mem>>) src(%dma_wait3A_96 : memref<4x128xi32, #tpu.memory_space<hbm>>) dst(%arg5 : memref<4x128xi32, #tpu.memory_space<vmem>>)
      tpu.yield
    }) : () -> ()
    %dma_start3A = arith.constant 0 : i32
    %dma_start3A_1 = arith.constant 0 : i32
    %dma_start3A_2 = arith.constant 0 : i32
    %dma_start3A_3 = tpu.memref_slice %arg6[%dma_start3A_1, %dma_start3A_2] : memref<512x16xf32, #tpu.memory_space<vmem>> -> memref<128x16xf32, #tpu.memory_space<vmem>>
    %dma_start3A_4 = arith.constant 0 : i32
    %dma_start3A_5 = tpu.memref_slice %arg5[%dma_start3A, %dma_start3A_4] : memref<4x128xi32, #tpu.memory_space<vmem>> -> memref<1x128xi32, #tpu.memory_space<vmem>>
    %dma_start3A_6 = tpu.memref_squeeze %dma_start3A_5 : memref<1x128xi32, #tpu.memory_space<vmem>> -> memref<128xi32, #tpu.memory_space<vmem>>
    %dma_start3A_7 = arith.constant 0 : i32
    %dma_start3A_8 = arith.constant 0 : i32
    %dma_start3A_9 = tpu.memref_slice %arg2[%dma_start3A_7, %dma_start3A_8] : memref<10000x16xf32, #tpu.memory_space<hbm>> -> memref<10000x16xf32, #tpu.memory_space<hbm>>
    tpu.enqueue_indirect_dma source(%dma_start3A_9 : memref<10000x16xf32, #tpu.memory_space<hbm>>) target(%dma_start3A_3 : memref<128x16xf32, #tpu.memory_space<vmem>>) offsets(%dma_start3A_6 : memref<128xi32, #tpu.memory_space<vmem>>) semaphore(%arg7 : memref<!tpu.dma_semaphore, #tpu.memory_space<semaphore_mem>>)
    %dma_wait3A = arith.constant 0 : i32
    %dma_wait3A_10 = arith.constant 0 : i32
    %dma_wait3A_11 = arith.constant 0 : i32
    %dma_wait3A_12 = tpu.memref_slice %arg6[%dma_wait3A_10, %dma_wait3A_11] : memref<512x16xf32, #tpu.memory_space<vmem>> -> memref<128x16xf32, #tpu.memory_space<vmem>>
    %dma_wait3A_13 = arith.constant 0 : i32
    %dma_wait3A_14 = tpu.memref_slice %arg5[%dma_wait3A, %dma_wait3A_13] : memref<4x128xi32, #tpu.memory_space<vmem>> -> memref<1x128xi32, #tpu.memory_space<vmem>>
    %dma_wait3A_15 = tpu.memref_squeeze %dma_wait3A_14 : memref<1x128xi32, #tpu.memory_space<vmem>> -> memref<128xi32, #tpu.memory_space<vmem>>
    %dma_wait3A_16 = arith.constant 0 : i32
    %dma_wait3A_17 = arith.constant 0 : i32
    %dma_wait3A_18 = tpu.memref_slice %arg2[%dma_wait3A_16, %dma_wait3A_17] : memref<10000x16xf32, #tpu.memory_space<hbm>> -> memref<10000x16xf32, #tpu.memory_space<hbm>>
    tpu.wait_indirect_dma semaphore(%arg7 : memref<!tpu.dma_semaphore, #tpu.memory_space<semaphore_mem>>) src(%dma_wait3A_18 : memref<10000x16xf32, #tpu.memory_space<hbm>>) dst(%dma_wait3A_12 : memref<128x16xf32, #tpu.memory_space<vmem>>)
    %dma_start3A_19 = arith.constant 1 : i32
    %dma_start3A_20 = arith.constant 128 : i32
    %dma_start3A_21 = arith.constant 0 : i32
    %dma_start3A_22 = tpu.memref_slice %arg6[%dma_start3A_20, %dma_start3A_21] : memref<512x16xf32, #tpu.memory_space<vmem>> -> memref<128x16xf32, #tpu.memory_space<vmem>>
    %dma_start3A_23 = arith.constant 0 : i32
    %dma_start3A_24 = tpu.memref_slice %arg5[%dma_start3A_19, %dma_start3A_23] : memref<4x128xi32, #tpu.memory_space<vmem>> -> memref<1x128xi32, #tpu.memory_space<vmem>>
    %dma_start3A_25 = tpu.memref_squeeze %dma_start3A_24 : memref<1x128xi32, #tpu.memory_space<vmem>> -> memref<128xi32, #tpu.memory_space<vmem>>
    %dma_start3A_26 = arith.constant 0 : i32
    %dma_start3A_27 = arith.constant 0 : i32
    %dma_start3A_28 = tpu.memref_slice %arg2[%dma_start3A_26, %dma_start3A_27] : memref<10000x16xf32, #tpu.memory_space<hbm>> -> memref<10000x16xf32, #tpu.memory_space<hbm>>
    tpu.enqueue_indirect_dma source(%dma_start3A_28 : memref<10000x16xf32, #tpu.memory_space<hbm>>) target(%dma_start3A_22 : memref<128x16xf32, #tpu.memory_space<vmem>>) offsets(%dma_start3A_25 : memref<128xi32, #tpu.memory_space<vmem>>) semaphore(%arg7 : memref<!tpu.dma_semaphore, #tpu.memory_space<semaphore_mem>>)
    %dma_wait3A_29 = arith.constant 1 : i32
    %dma_wait3A_30 = arith.constant 128 : i32
    %dma_wait3A_31 = arith.constant 0 : i32
    %dma_wait3A_32 = tpu.memref_slice %arg6[%dma_wait3A_30, %dma_wait3A_31] : memref<512x16xf32, #tpu.memory_space<vmem>> -> memref<128x16xf32, #tpu.memory_space<vmem>>
    %dma_wait3A_33 = arith.constant 0 : i32
    %dma_wait3A_34 = tpu.memref_slice %arg5[%dma_wait3A_29, %dma_wait3A_33] : memref<4x128xi32, #tpu.memory_space<vmem>> -> memref<1x128xi32, #tpu.memory_space<vmem>>
    %dma_wait3A_35 = tpu.memref_squeeze %dma_wait3A_34 : memref<1x128xi32, #tpu.memory_space<vmem>> -> memref<128xi32, #tpu.memory_space<vmem>>
    %dma_wait3A_36 = arith.constant 0 : i32
    %dma_wait3A_37 = arith.constant 0 : i32
    %dma_wait3A_38 = tpu.memref_slice %arg2[%dma_wait3A_36, %dma_wait3A_37] : memref<10000x16xf32, #tpu.memory_space<hbm>> -> memref<10000x16xf32, #tpu.memory_space<hbm>>
    tpu.wait_indirect_dma semaphore(%arg7 : memref<!tpu.dma_semaphore, #tpu.memory_space<semaphore_mem>>) src(%dma_wait3A_38 : memref<10000x16xf32, #tpu.memory_space<hbm>>) dst(%dma_wait3A_32 : memref<128x16xf32, #tpu.memory_space<vmem>>)
    %dma_start3A_39 = arith.constant 2 : i32
    %dma_start3A_40 = arith.constant 256 : i32
    %dma_start3A_41 = arith.constant 0 : i32
    %dma_start3A_42 = tpu.memref_slice %arg6[%dma_start3A_40, %dma_start3A_41] : memref<512x16xf32, #tpu.memory_space<vmem>> -> memref<128x16xf32, #tpu.memory_space<vmem>>
    %dma_start3A_43 = arith.constant 0 : i32
    %dma_start3A_44 = tpu.memref_slice %arg5[%dma_start3A_39, %dma_start3A_43] : memref<4x128xi32, #tpu.memory_space<vmem>> -> memref<1x128xi32, #tpu.memory_space<vmem>>
    %dma_start3A_45 = tpu.memref_squeeze %dma_start3A_44 : memref<1x128xi32, #tpu.memory_space<vmem>> -> memref<128xi32, #tpu.memory_space<vmem>>
    %dma_start3A_46 = arith.constant 0 : i32
    %dma_start3A_47 = arith.constant 0 : i32
    %dma_start3A_48 = tpu.memref_slice %arg2[%dma_start3A_46, %dma_start3A_47] : memref<10000x16xf32, #tpu.memory_space<hbm>> -> memref<10000x16xf32, #tpu.memory_space<hbm>>
    tpu.enqueue_indirect_dma source(%dma_start3A_48 : memref<10000x16xf32, #tpu.memory_space<hbm>>) target(%dma_start3A_42 : memref<128x16xf32, #tpu.memory_space<vmem>>) offsets(%dma_start3A_45 : memref<128xi32, #tpu.memory_space<vmem>>) semaphore(%arg7 : memref<!tpu.dma_semaphore, #tpu.memory_space<semaphore_mem>>)
    %dma_wait3A_49 = arith.constant 2 : i32
    %dma_wait3A_50 = arith.constant 256 : i32
    %dma_wait3A_51 = arith.constant 0 : i32
    %dma_wait3A_52 = tpu.memref_slice %arg6[%dma_wait3A_50, %dma_wait3A_51] : memref<512x16xf32, #tpu.memory_space<vmem>> -> memref<128x16xf32, #tpu.memory_space<vmem>>
    %dma_wait3A_53 = arith.constant 0 : i32
    %dma_wait3A_54 = tpu.memref_slice %arg5[%dma_wait3A_49, %dma_wait3A_53] : memref<4x128xi32, #tpu.memory_space<vmem>> -> memref<1x128xi32, #tpu.memory_space<vmem>>
    %dma_wait3A_55 = tpu.memref_squeeze %dma_wait3A_54 : memref<1x128xi32, #tpu.memory_space<vmem>> -> memref<128xi32, #tpu.memory_space<vmem>>
    %dma_wait3A_56 = arith.constant 0 : i32
    %dma_wait3A_57 = arith.constant 0 : i32
    %dma_wait3A_58 = tpu.memref_slice %arg2[%dma_wait3A_56, %dma_wait3A_57] : memref<10000x16xf32, #tpu.memory_space<hbm>> -> memref<10000x16xf32, #tpu.memory_space<hbm>>
    tpu.wait_indirect_dma semaphore(%arg7 : memref<!tpu.dma_semaphore, #tpu.memory_space<semaphore_mem>>) src(%dma_wait3A_58 : memref<10000x16xf32, #tpu.memory_space<hbm>>) dst(%dma_wait3A_52 : memref<128x16xf32, #tpu.memory_space<vmem>>)
    %dma_start3A_59 = arith.constant 3 : i32
    %dma_start3A_60 = arith.constant 384 : i32
    %dma_start3A_61 = arith.constant 0 : i32
    %dma_start3A_62 = tpu.memref_slice %arg6[%dma_start3A_60, %dma_start3A_61] : memref<512x16xf32, #tpu.memory_space<vmem>> -> memref<128x16xf32, #tpu.memory_space<vmem>>
    %dma_start3A_63 = arith.constant 0 : i32
    %dma_start3A_64 = tpu.memref_slice %arg5[%dma_start3A_59, %dma_start3A_63] : memref<4x128xi32, #tpu.memory_space<vmem>> -> memref<1x128xi32, #tpu.memory_space<vmem>>
    %dma_start3A_65 = tpu.memref_squeeze %dma_start3A_64 : memref<1x128xi32, #tpu.memory_space<vmem>> -> memref<128xi32, #tpu.memory_space<vmem>>
    %dma_start3A_66 = arith.constant 0 : i32
    %dma_start3A_67 = arith.constant 0 : i32
    %dma_start3A_68 = tpu.memref_slice %arg2[%dma_start3A_66, %dma_start3A_67] : memref<10000x16xf32, #tpu.memory_space<hbm>> -> memref<10000x16xf32, #tpu.memory_space<hbm>>
    tpu.enqueue_indirect_dma source(%dma_start3A_68 : memref<10000x16xf32, #tpu.memory_space<hbm>>) target(%dma_start3A_62 : memref<128x16xf32, #tpu.memory_space<vmem>>) offsets(%dma_start3A_65 : memref<128xi32, #tpu.memory_space<vmem>>) semaphore(%arg7 : memref<!tpu.dma_semaphore, #tpu.memory_space<semaphore_mem>>)
    %dma_wait3A_69 = arith.constant 3 : i32
    %dma_wait3A_70 = arith.constant 384 : i32
    %dma_wait3A_71 = arith.constant 0 : i32
    %dma_wait3A_72 = tpu.memref_slice %arg6[%dma_wait3A_70, %dma_wait3A_71] : memref<512x16xf32, #tpu.memory_space<vmem>> -> memref<128x16xf32, #tpu.memory_space<vmem>>
    %dma_wait3A_73 = arith.constant 0 : i32
    %dma_wait3A_74 = tpu.memref_slice %arg5[%dma_wait3A_69, %dma_wait3A_73] : memref<4x128xi32, #tpu.memory_space<vmem>> -> memref<1x128xi32, #tpu.memory_space<vmem>>
    %dma_wait3A_75 = tpu.memref_squeeze %dma_wait3A_74 : memref<1x128xi32, #tpu.memory_space<vmem>> -> memref<128xi32, #tpu.memory_space<vmem>>
    %dma_wait3A_76 = arith.constant 0 : i32
    %dma_wait3A_77 = arith.constant 0 : i32
    %dma_wait3A_78 = tpu.memref_slice %arg2[%dma_wait3A_76, %dma_wait3A_77] : memref<10000x16xf32, #tpu.memory_space<hbm>> -> memref<10000x16xf32, #tpu.memory_space<hbm>>
    tpu.wait_indirect_dma semaphore(%arg7 : memref<!tpu.dma_semaphore, #tpu.memory_space<semaphore_mem>>) src(%dma_wait3A_78 : memref<10000x16xf32, #tpu.memory_space<hbm>>) dst(%dma_wait3A_72 : memref<128x16xf32, #tpu.memory_space<vmem>>)
    %mul3A_79 = arith.constant 512 : i32
    %mul3A_80 = arith.muli %add3A, %mul3A_79 : i32
    "tpu.region"() ({
      %run_scoped3A = tpu.sem_alloc : memref<!tpu.dma_semaphore, #tpu.memory_space<semaphore_mem>>
      %dma_start3A_81 = arith.constant 0 : i32
      %dma_start3A_82 = tpu.memref_slice %arg4[%mul3A_80, %dma_start3A_81] : memref<16384x16xf32, #tpu.memory_space<hbm>> -> memref<512x16xf32, #tpu.memory_space<hbm>>
      %dma_start3A_83 = arith.constant 0 : i32
      %dma_start3A_84 = tpu.memref_slice %arg4[%mul3A_80, %dma_start3A_83] : memref<16384x16xf32, #tpu.memory_space<hbm>> -> memref<512x16xf32, #tpu.memory_space<hbm>>
      tpu.enqueue_dma source(%arg6 : memref<512x16xf32, #tpu.memory_space<vmem>>) target(%dma_start3A_84 : memref<512x16xf32, #tpu.memory_space<hbm>>) target_semaphore(%run_scoped3A : memref<!tpu.dma_semaphore, #tpu.memory_space<semaphore_mem>>)
      %dma_wait3A_85 = arith.constant 0 : i32
      %dma_wait3A_86 = tpu.memref_slice %arg4[%mul3A_80, %dma_wait3A_85] : memref<16384x16xf32, #tpu.memory_space<hbm>> -> memref<512x16xf32, #tpu.memory_space<hbm>>
      %dma_wait3A_87 = arith.constant 0 : i32
      %dma_wait3A_88 = tpu.memref_slice %arg4[%mul3A_80, %dma_wait3A_87] : memref<16384x16xf32, #tpu.memory_space<hbm>> -> memref<512x16xf32, #tpu.memory_space<hbm>>
      tpu.wait_dma2 semaphore(%run_scoped3A : memref<!tpu.dma_semaphore, #tpu.memory_space<semaphore_mem>>) src(%arg6 : memref<512x16xf32, #tpu.memory_space<vmem>>) dst(%dma_wait3A_88 : memref<512x16xf32, #tpu.memory_space<hbm>>)
      tpu.yield
    }) : () -> ()
    return
  }
}

module attributes {stable_mosaic.version = 14 : i64} {
  func.func @_tc_prep_body(%arg0: memref<2x10112x8xf32, #tpu.memory_space<vmem>>, %arg1: memref<10000x128xf32, #tpu.memory_space<vmem>>, %arg2: memref<128x16xf32, #tpu.memory_space<vmem>>, %arg3: memref<10000x16xf32, #tpu.memory_space<vmem>>, %arg4: memref<10000x16xf32, #tpu.memory_space<vmem>>) attributes {dimension_semantics = [], scalar_prefetch = 0 : i64, scratch_operands = 0 : i64, tpu.core_type = #tpu.core_type<tc>} {
    %get3A = arith.constant 0 : index
    %get3A_0 = arith.constant 0 : index
    %get3A_1 = arith.constant 0 : index
    %get3A_2 = vector.load %arg0[%get3A, %get3A_0, %get3A_1] : memref<2x10112x8xf32, #tpu.memory_space<vmem>>, vector<1x10000x8xf32>
    %get3A_3 = vector.shape_cast %get3A_2 : vector<1x10000x8xf32> to vector<10000x8xf32>
    %get3A_4 = arith.constant 1 : index
    %get3A_5 = arith.constant 0 : index
    %get3A_6 = arith.constant 0 : index
    %get3A_7 = vector.load %arg0[%get3A_4, %get3A_5, %get3A_6] : memref<2x10112x8xf32, #tpu.memory_space<vmem>>, vector<1x10000x8xf32>
    %get3A_8 = vector.shape_cast %get3A_7 : vector<1x10000x8xf32> to vector<10000x8xf32>
    %add3A = arith.addf %get3A_3, %get3A_8 : vector<10000x8xf32>
    %add3A_9 = arith.constant 1.000000e+00 : f32
    %add3A_10 = vector.broadcast %add3A_9 : f32 to vector<10000x8xf32>
    %add3A_11 = arith.addf %add3A, %add3A_10 : vector<10000x8xf32>
    %rsqrt3A = math.rsqrt %add3A_11 : vector<10000x8xf32>
    %concatenate3A = tpu.concatenate %rsqrt3A, %rsqrt3A in 1 : vector<10000x8xf32>, vector<10000x8xf32> -> vector<10000x16xf32>
    %swap3A = arith.constant 0 : index
    %swap3A_12 = arith.constant 0 : index
    %swap3A_13 = vector.load %arg3[%swap3A, %swap3A_12] : memref<10000x16xf32, #tpu.memory_space<vmem>>, vector<10000x16xf32>
    tpu.vector_store %arg3[%swap3A, %swap3A_12], %concatenate3A {strides = array<i32>} : memref<10000x16xf32, #tpu.memory_space<vmem>>, vector<10000x16xf32>,
    %get3A_14 = arith.constant 0 : index
    %get3A_15 = arith.constant 0 : index
    %get3A_16 = vector.load %arg1[%get3A_14, %get3A_15] : memref<10000x128xf32, #tpu.memory_space<vmem>>, vector<10000x128xf32>
    %get3A_17 = arith.constant 0 : index
    %get3A_18 = arith.constant 0 : index
    %get3A_19 = vector.load %arg2[%get3A_17, %get3A_18] : memref<128x16xf32, #tpu.memory_space<vmem>>, vector<128x16xf32>
    %dot_general3A = arith.constant dense<0.000000e+00> : vector<10000x16xf32>
    %dot_general3A_20 = tpu.matmul %get3A_16, %get3A_19, %dot_general3A {dimension_numbers = #tpu.dot_dimension_numbers<[1], [0], [0], [1], [0, 0, 1, 1], [], []>, transpose_lhs_hint = false} : vector<10000x128xf32>, vector<128x16xf32>, vector<10000x16xf32> -> vector<10000x16xf32>
    %mul3A = arith.mulf %dot_general3A_20, %concatenate3A : vector<10000x16xf32>
    %swap3A_21 = arith.constant 0 : index
    %swap3A_22 = arith.constant 0 : index
    %swap3A_23 = vector.load %arg4[%swap3A_21, %swap3A_22] : memref<10000x16xf32, #tpu.memory_space<vmem>>, vector<10000x16xf32>
    tpu.vector_store %arg4[%swap3A_21, %swap3A_22], %mul3A {strides = array<i32>} : memref<10000x16xf32, #tpu.memory_space<vmem>>, vector<10000x16xf32>,
    return
  }
}

module attributes {stable_mosaic.version = 14 : i64} {
  func.func @_tc_mid_body(%arg0: memref<2x10112x16xf32, #tpu.memory_space<vmem>>, %arg1: memref<10000x16xf32, #tpu.memory_space<vmem>>, %arg2: memref<10000x16xf32, #tpu.memory_space<vmem>>, %arg3: memref<1x16xf32, #tpu.memory_space<vmem>>, %arg4: memref<10000x16xf32, #tpu.memory_space<vmem>>) attributes {dimension_semantics = [], scalar_prefetch = 0 : i64, scratch_operands = 0 : i64, tpu.core_type = #tpu.core_type<tc>} {
    %get3A = arith.constant 0 : index
    %get3A_0 = arith.constant 0 : index
    %get3A_1 = arith.constant 0 : index
    %get3A_2 = vector.load %arg0[%get3A, %get3A_0, %get3A_1] : memref<2x10112x16xf32, #tpu.memory_space<vmem>>, vector<1x10000x16xf32>
    %get3A_3 = vector.shape_cast %get3A_2 : vector<1x10000x16xf32> to vector<10000x16xf32>
    %get3A_4 = arith.constant 1 : index
    %get3A_5 = arith.constant 0 : index
    %get3A_6 = arith.constant 0 : index
    %get3A_7 = vector.load %arg0[%get3A_4, %get3A_5, %get3A_6] : memref<2x10112x16xf32, #tpu.memory_space<vmem>>, vector<1x10000x16xf32>
    %get3A_8 = vector.shape_cast %get3A_7 : vector<1x10000x16xf32> to vector<10000x16xf32>
    %add3A = arith.addf %get3A_3, %get3A_8 : vector<10000x16xf32>
    %get3A_9 = arith.constant 0 : index
    %get3A_10 = arith.constant 0 : index
    %get3A_11 = vector.load %arg1[%get3A_9, %get3A_10] : memref<10000x16xf32, #tpu.memory_space<vmem>>, vector<10000x16xf32>
    %add3A_12 = arith.addf %add3A, %get3A_11 : vector<10000x16xf32>
    %get3A_13 = arith.constant 0 : index
    %get3A_14 = arith.constant 0 : index
    %get3A_15 = vector.load %arg2[%get3A_13, %get3A_14] : memref<10000x16xf32, #tpu.memory_space<vmem>>, vector<10000x16xf32>
    %mul3A = arith.mulf %get3A_15, %add3A_12 : vector<10000x16xf32>
    %get3A_16 = arith.constant 0 : index
    %get3A_17 = arith.constant 0 : index
    %get3A_18 = vector.load %arg3[%get3A_16, %get3A_17] : memref<1x16xf32, #tpu.memory_space<vmem>>, vector<1x16xf32>
    %add3A_19 = vector.broadcast %get3A_18 : vector<1x16xf32> to vector<10000x16xf32>
    %add3A_20 = arith.addf %mul3A, %add3A_19 : vector<10000x16xf32>
    %max3A = arith.constant 0.000000e+00 : f32
    %max3A_21 = vector.broadcast %max3A : f32 to vector<10000x16xf32>
    %max3A_22 = arith.maximumf %add3A_20, %max3A_21 : vector<10000x16xf32>
    %get3A_23 = arith.constant 0 : index
    %get3A_24 = arith.constant 0 : index
    %get3A_25 = vector.load %arg2[%get3A_23, %get3A_24] : memref<10000x16xf32, #tpu.memory_space<vmem>>, vector<10000x16xf32>
    %mul3A_26 = arith.mulf %get3A_25, %max3A_22 : vector<10000x16xf32>
    %swap3A = arith.constant 0 : index
    %swap3A_27 = arith.constant 0 : index
    %swap3A_28 = vector.load %arg4[%swap3A, %swap3A_27] : memref<10000x16xf32, #tpu.memory_space<vmem>>, vector<10000x16xf32>
    tpu.vector_store %arg4[%swap3A, %swap3A_27], %mul3A_26 {strides = array<i32>} : memref<10000x16xf32, #tpu.memory_space<vmem>>, vector<10000x16xf32>,
    return
  }
}

module attributes {stable_mosaic.version = 14 : i64} {
  func.func @_tc_u_body(%arg0: memref<2x10112x16xf32, #tpu.memory_space<vmem>>, %arg1: memref<10000x16xf32, #tpu.memory_space<vmem>>, %arg2: memref<10000x16xf32, #tpu.memory_space<vmem>>, %arg3: memref<10000x16xf32, #tpu.memory_space<vmem>>) attributes {dimension_semantics = [], scalar_prefetch = 0 : i64, scratch_operands = 0 : i64, tpu.core_type = #tpu.core_type<tc>} {
    %get3A = arith.constant 0 : index
    %get3A_0 = arith.constant 0 : index
    %get3A_1 = arith.constant 0 : index
    %get3A_2 = vector.load %arg0[%get3A, %get3A_0, %get3A_1] : memref<2x10112x16xf32, #tpu.memory_space<vmem>>, vector<1x10000x16xf32>
    %get3A_3 = vector.shape_cast %get3A_2 : vector<1x10000x16xf32> to vector<10000x16xf32>
    %get3A_4 = arith.constant 1 : index
    %get3A_5 = arith.constant 0 : index
    %get3A_6 = arith.constant 0 : index
    %get3A_7 = vector.load %arg0[%get3A_4, %get3A_5, %get3A_6] : memref<2x10112x16xf32, #tpu.memory_space<vmem>>, vector<1x10000x16xf32>
    %get3A_8 = vector.shape_cast %get3A_7 : vector<1x10000x16xf32> to vector<10000x16xf32>
    %add3A = arith.addf %get3A_3, %get3A_8 : vector<10000x16xf32>
    %get3A_9 = arith.constant 0 : index
    %get3A_10 = arith.constant 0 : index
    %get3A_11 = vector.load %arg1[%get3A_9, %get3A_10] : memref<10000x16xf32, #tpu.memory_space<vmem>>, vector<10000x16xf32>
    %add3A_12 = arith.addf %add3A, %get3A_11 : vector<10000x16xf32>
    %get3A_13 = arith.constant 0 : index
    %get3A_14 = arith.constant 0 : index
    %get3A_15 = vector.load %arg2[%get3A_13, %get3A_14] : memref<10000x16xf32, #tpu.memory_space<vmem>>, vector<10000x16xf32>
    %mul3A = arith.mulf %get3A_15, %add3A_12 : vector<10000x16xf32>
    %swap3A = arith.constant 0 : index
    %swap3A_16 = arith.constant 0 : index
    %swap3A_17 = vector.load %arg3[%swap3A, %swap3A_16] : memref<10000x16xf32, #tpu.memory_space<vmem>>, vector<10000x16xf32>
    tpu.vector_store %arg3[%swap3A, %swap3A_16], %mul3A {strides = array<i32>} : memref<10000x16xf32, #tpu.memory_space<vmem>>, vector<10000x16xf32>,
    return
  }
}

module attributes {stable_mosaic.version = 14 : i64} {
  func.func @_tc_head_body(%arg0: memref<8192x16xf32, #tpu.memory_space<vmem>>, %arg1: memref<8192x16xf32, #tpu.memory_space<vmem>>, %arg2: memref<16x128xf32, #tpu.memory_space<vmem>>, %arg3: memref<1x128xf32, #tpu.memory_space<vmem>>, %arg4: memref<8192x1xi32, #tpu.memory_space<vmem>>, %arg5: memref<8192x1xf32, #tpu.memory_space<vmem>>, %arg6: memref<1x1xf32, #tpu.memory_space<vmem>>) attributes {dimension_semantics = [], scalar_prefetch = 0 : i64, scratch_operands = 0 : i64, tpu.core_type = #tpu.core_type<tc>} {
    %get3A = arith.constant 0 : index
    %get3A_0 = arith.constant 0 : index
    %get3A_1 = vector.load %arg0[%get3A, %get3A_0] : memref<8192x16xf32, #tpu.memory_space<vmem>>, vector<8192x16xf32>
    %get3A_2 = arith.constant 0 : index
    %get3A_3 = arith.constant 0 : index
    %get3A_4 = vector.load %arg2[%get3A_2, %get3A_3] : memref<16x128xf32, #tpu.memory_space<vmem>>, vector<16x128xf32>
    %dot_general3A = arith.constant dense<0.000000e+00> : vector<8192x128xf32>
    %dot_general3A_5 = tpu.matmul %get3A_1, %get3A_4, %dot_general3A {dimension_numbers = #tpu.dot_dimension_numbers<[1], [0], [0], [1], [0, 0, 1, 1], [], []>, transpose_lhs_hint = false} : vector<8192x16xf32>, vector<16x128xf32>, vector<8192x128xf32> -> vector<8192x128xf32>
    %get3A_6 = arith.constant 0 : index
    %get3A_7 = arith.constant 0 : index
    %get3A_8 = vector.load %arg3[%get3A_6, %get3A_7] : memref<1x128xf32, #tpu.memory_space<vmem>>, vector<1x128xf32>
    %add3A = vector.broadcast %get3A_8 : vector<1x128xf32> to vector<8192x128xf32>
    %add3A_9 = arith.addf %dot_general3A_5, %add3A : vector<8192x128xf32>
    %get3A_10 = arith.constant 0 : index
    %get3A_11 = arith.constant 0 : index
    %get3A_12 = vector.load %arg1[%get3A_10, %get3A_11] : memref<8192x16xf32, #tpu.memory_space<vmem>>, vector<8192x16xf32>
    %get3A_13 = arith.constant 0 : index
    %get3A_14 = arith.constant 0 : index
    %get3A_15 = vector.load %arg2[%get3A_13, %get3A_14] : memref<16x128xf32, #tpu.memory_space<vmem>>, vector<16x128xf32>
    %dot_general3A_16 = arith.constant dense<0.000000e+00> : vector<8192x128xf32>
    %dot_general3A_17 = tpu.matmul %get3A_12, %get3A_15, %dot_general3A_16 {dimension_numbers = #tpu.dot_dimension_numbers<[1], [0], [0], [1], [0, 0, 1, 1], [], []>, transpose_lhs_hint = false} : vector<8192x16xf32>, vector<16x128xf32>, vector<8192x128xf32> -> vector<8192x128xf32>
    %get3A_18 = arith.constant 0 : index
    %get3A_19 = arith.constant 0 : index
    %get3A_20 = vector.load %arg3[%get3A_18, %get3A_19] : memref<1x128xf32, #tpu.memory_space<vmem>>, vector<1x128xf32>
    %add3A_21 = vector.broadcast %get3A_20 : vector<1x128xf32> to vector<8192x128xf32>
    %add3A_22 = arith.addf %dot_general3A_17, %add3A_21 : vector<8192x128xf32>
    %mul3A = arith.mulf %add3A_9, %add3A_9 : vector<8192x128xf32>
    %reduce_sum3A = arith.constant dense<0.000000e+00> : vector<8192xf32>
    %reduce_sum3A_23 = vector.multi_reduction <add>, %mul3A, %reduce_sum3A [1] : vector<8192x128xf32> to vector<8192xf32>
    %broadcast_in_dim3A = vector.shape_cast %reduce_sum3A_23 : vector<8192xf32> to vector<8192x1xf32>
    %sqrt3A = math.sqrt %broadcast_in_dim3A : vector<8192x1xf32>
    %mul3A_24 = arith.mulf %add3A_22, %add3A_22 : vector<8192x128xf32>
    %reduce_sum3A_25 = arith.constant dense<0.000000e+00> : vector<8192xf32>
    %reduce_sum3A_26 = vector.multi_reduction <add>, %mul3A_24, %reduce_sum3A_25 [1] : vector<8192x128xf32> to vector<8192xf32>
    %broadcast_in_dim3A_27 = vector.shape_cast %reduce_sum3A_26 : vector<8192xf32> to vector<8192x1xf32>
    %sqrt3A_28 = math.sqrt %broadcast_in_dim3A_27 : vector<8192x1xf32>
    %mul3A_29 = arith.mulf %add3A_9, %add3A_22 : vector<8192x128xf32>
    %reduce_sum3A_30 = arith.constant dense<0.000000e+00> : vector<8192xf32>
    %reduce_sum3A_31 = vector.multi_reduction <add>, %mul3A_29, %reduce_sum3A_30 [1] : vector<8192x128xf32> to vector<8192xf32>
    %broadcast_in_dim3A_32 = vector.shape_cast %reduce_sum3A_31 : vector<8192xf32> to vector<8192x1xf32>
    %max3A = arith.constant 9.99999993E-9 : f32
    %max3A_33 = vector.broadcast %max3A : f32 to vector<8192x1xf32>
    %max3A_34 = arith.maximumf %sqrt3A, %max3A_33 : vector<8192x1xf32>
    %max3A_35 = arith.constant 9.99999993E-9 : f32
    %max3A_36 = vector.broadcast %max3A_35 : f32 to vector<8192x1xf32>
    %max3A_37 = arith.maximumf %sqrt3A_28, %max3A_36 : vector<8192x1xf32>
    %mul3A_38 = arith.mulf %max3A_34, %max3A_37 : vector<8192x1xf32>
    %div3A = arith.divf %broadcast_in_dim3A_32, %mul3A_38 : vector<8192x1xf32>
    %add3A_39 = arith.constant 1.000000e+00 : f32
    %add3A_40 = vector.broadcast %add3A_39 : f32 to vector<8192x1xf32>
    %add3A_41 = arith.addf %div3A, %add3A_40 : vector<8192x1xf32>
    %mul3A_42 = arith.constant 5.000000e-01 : f32
    %mul3A_43 = vector.broadcast %mul3A_42 : f32 to vector<8192x1xf32>
    %mul3A_44 = arith.mulf %add3A_41, %mul3A_43 : vector<8192x1xf32>
    %swap3A = arith.constant 0 : index
    %swap3A_45 = arith.constant 0 : index
    %swap3A_46 = vector.load %arg5[%swap3A, %swap3A_45] : memref<8192x1xf32, #tpu.memory_space<vmem>>, vector<8192x1xf32>
    tpu.vector_store %arg5[%swap3A, %swap3A_45], %mul3A_44 {strides = array<i32>} : memref<8192x1xf32, #tpu.memory_space<vmem>>, vector<8192x1xf32>,
    %get3A_47 = arith.constant 0 : index
    %get3A_48 = arith.constant 0 : index
    %get3A_49 = vector.load %arg4[%get3A_47, %get3A_48] : memref<8192x1xi32, #tpu.memory_space<vmem>>, vector<8192x1xi32>
    %convert_element_type3A = arith.sitofp %get3A_49 : vector<8192x1xi32> to vector<8192x1xf32>
    %mul3A_50 = arith.constant 2.000000e+00 : f32
    %mul3A_51 = vector.broadcast %mul3A_50 : f32 to vector<8192x1xf32>
    %mul3A_52 = arith.mulf %convert_element_type3A, %mul3A_51 : vector<8192x1xf32>
    %sub3A = arith.constant 1.000000e+00 : f32
    %sub3A_53 = vector.broadcast %sub3A : f32 to vector<8192x1xf32>
    %sub3A_54 = arith.subf %mul3A_52, %sub3A_53 : vector<8192x1xf32>
    %gt3A = arith.constant 0.000000e+00 : f32
    %gt3A_55 = vector.broadcast %gt3A : f32 to vector<8192x1xf32>
    %gt3A_56 = arith.cmpf ogt, %sub3A_54, %gt3A_55 : vector<8192x1xf32>
    %sub3A_57 = arith.constant 1.000000e+00 : f32
    %sub3A_58 = vector.broadcast %sub3A_57 : f32 to vector<8192x1xf32>
    %sub3A_59 = arith.subf %sub3A_58, %div3A : vector<8192x1xf32>
    %max3A_60 = arith.constant 0.000000e+00 : f32
    %max3A_61 = vector.broadcast %max3A_60 : f32 to vector<8192x1xf32>
    %max3A_62 = arith.maximumf %div3A, %max3A_61 : vector<8192x1xf32>
    %select_n3A = arith.select %gt3A_56, %sub3A_59, %max3A_62 : vector<8192x1xi1>, vector<8192x1xf32>
    %reduce_sum3A_63 = arith.constant dense<0.000000e+00> : vector<1xf32>
    %reduce_sum3A_64 = vector.multi_reduction <add>, %select_n3A, %reduce_sum3A_63 [0] : vector<8192x1xf32> to vector<1xf32>
    %broadcast_in_dim3A_65 = vector.shape_cast %reduce_sum3A_64 : vector<1xf32> to vector<1x1xf32>
    %mul3A_66 = arith.constant 1.22070313E-4 : f32
    %mul3A_67 = vector.broadcast %mul3A_66 : f32 to vector<1x1xf32>
    %mul3A_68 = arith.mulf %broadcast_in_dim3A_65, %mul3A_67 : vector<1x1xf32>
    %swap3A_69 = arith.constant 0 : index
    %swap3A_70 = arith.constant 0 : index
    %swap3A_71 = vector.load %arg6[%swap3A_69, %swap3A_70] : memref<1x1xf32, #tpu.memory_space<vmem>>, vector<1x1xf32>
    tpu.vector_store %arg6[%swap3A_69, %swap3A_70], %mul3A_68 {strides = array<i32>} : memref<1x1xf32, #tpu.memory_space<vmem>>, vector<1x1xf32>,
    return
  }
}

</mosaic_0001>

<sc_bundles>
// kernel: kernel.10.cloned.1.call-start
scs
__scs_entry_jumppad:
0x0: {  	(pc) =	sbr.rel $0x88, $3  }
0x1: {  	(tag) =	ssettag $0x0;
	lr =	simm.s32 $0x1  }
0x2: {  	[smem:$0x3F98] =	sst lr;
	_ =	strace $0xD0000000  }
0x3: {  	_ = 	snop  }
0x4: {  	_ = 	snop  }
0x5: {  	_ = 	snop  }
0x6: {  	_ = 	snop  }
0x7: {  	_ = 	snop  }
__scs_overlays_trampoline_lowered:
0x8: {  	[smem:$0x3FA7] =	sst s0  }
0x9: {  	[smem:$0x3FA8] =	sst s1  }
0xa: {  	[smem:$0x3FA9] =	sst s2  }
0xb: {  	[smem:$0x3FAA] =	sst s3  }
0xc: {  	[smem:$0x3FAB] =	sst s4  }
0xd: {  	[smem:$0x3FAC] =	sst s5  }
0xe: {  	[smem:$0x3FAD] =	sst s6  }
0xf: {  	[smem:$0x3FAE] =	sst s7  }
0x10: {  	[smem:$0x3FAF] =	sst s8  }
0x11: {  	[smem:$0x3FB0] =	sst s9;
	s0 =	simm.s32 @!p0 $0x0  }
0x12: {  	s1 =	sld [smem:$0x3F96];
	s0 =	simm.s32 @p0 $0x1  }
0x13: {  	[smem:$0x3FB1] =	sst s0;
	s0 =	simm.s32 @!p1 $0x0  }
0x14: {  	s2 =	sld [smem:$0x3F95];
	s0 =	simm.s32 @p1 $0x1  }
0x15: {  	[smem:$0x3FB2] =	sst s0;
	s0 =	simm.s32 @!p2 $0x0  }
0x16: {  	s3 =	sld [smem:$0x3FDB];
	s0 =	simm.s32 @p2 $0x1  }
0x17: {  	s4 =	simm.s32 $0x1BF5;
	[smem:$0x3FB4] =	sst s0  }
0x18: {  	s0 =	sld [smem:$0x3F97];
	_ =	swait.ge [sflag:s4], $0x0  }
0x19: {  	s7 =	sld [smem:$0x3F98]  }
0x1a: {  	s8 =	sadd.s32 $0xFFFFE003, lr  }
0x1b: {  	s9 =	sadd.s32 $0xFFFFFEF7, lr;
	s5 =	simm.s32 $0xFFFFFFFF;
	p2 =	slt.u32 s8, $0xFFFFF086  }
0x1c: {  	p1 =	slt.u32 s9, $0xF7A;
	s5 =	simm.s32 @!p2 $0x0  }
0x1d: {  	s5 =	simm.s32 @p1 $0x1;
	p0 =	seq.s32 s7, s2  }
0x1e: {  	s7 =	smul.u32 @!p0 $0xF7A, s2;
	p2 =	seq.s32 @!p0 s5, $0x0  }
0x1f: {  	s9 =	smul.u32 $0xF7A, s1;
	s8 =	simm.s32 @!p0 $0x1BF5;
	p2 =	por !p2, p0  }
0x20: {  	[sflag:s8] =	ssyncset.s32 @!p0 $0xFFFFF086;
	s6 =	sadd.s32 @!p0 s3, s7;
	s7 =	simm.s32 @!p0 $0x108  }
0x21: {  	s3 =	sadd.s32 s3, s9;
	s6 =	sadd.s32 @!p0 $0x88, s6;
	s7 =	simm.s32 @p2 $0x1082  }
0x22: {  	[simem:s7], [sflag:s8] =	dma.local @!p0 [hbm:s6], $0xF7A  }
0x23: {  	s9 =	sor.u32 $0xD0000000, s2;
	s6 =	simm.s32 $0x108;
	_ =	swait.ge @!p0 [sflag:s8], $0x0  }
0x24: {  	s3 =	sadd.s32 $0x88, s3;
	s6 =	simm.s32 @!p1 $0x1082;
	[sflag:s4] =	ssyncset.s32 $0xFFFFF086  }
0x25: {  	[simem:s6], [sflag:s4] =	dma.local [hbm:s3], $0xF7A  }
0x26: {  	[smem:$0x3F98] =	sst s1;
	(tag) =	ssettag s2;
	_ =	strace s9  }
0x27: {  	s1 =	sld [smem:$0x3FA8]  }
0x28: {  	s2 =	sld [smem:$0x3FA9]  }
0x29: {  	s4 =	sld [smem:$0x3FAB]  }
0x2a: {  	p0 =	seq.s32 s5, $0x0;
	s5 =	sld [smem:$0x3FAC]  }
0x2b: {  	s6 =	sld [smem:$0x3FAD]  }
0x2c: {  	s7 =	sld [smem:$0x3FAE]  }
0x2d: {  	s3 =	simm.s32 $0x108;
	s8 =	sld [smem:$0x3FAF]  }
0x2e: {  	s3 =	simm.s32 @!p0 $0x1082;
	s9 =	sld [smem:$0x3FB0]  }
0x2f: {  	lr =	sadd.s32 s0, s3;
	s0 =	sld [smem:$0x3FA7]  }
0x30: {  	s3 =	sld [smem:$0x3FAA]  }
0x31: {  	[smem:$0x3FB3] =	sst s10  }
0x32: {  	s10 =	sld [smem:$0x3FB1];
	_ =	sdelay $0x3  }
0x33: {  	p0 =	seq.s32 s10, $0x1;
	s10 =	sld [smem:$0x3FB3];
	_ =	sdelay $0x3  }
0x34: {  	[smem:$0x3FB3] =	sst s10  }
0x35: {  	s10 =	sld [smem:$0x3FB2];
	_ =	sdelay $0x3  }
0x36: {  	p1 =	seq.s32 s10, $0x1;
	s10 =	sld [smem:$0x3FB3];
	_ =	sdelay $0x3  }
0x37: {  	[smem:$0x3FB3] =	sst s10  }
0x38: {  	s10 =	sld [smem:$0x3FB4]  }
0x39: {  	_ = 	snop;
	(pc) =	sbr.ind lr, $3  }
0x3a: {  	_ = 	snop  }
0x3b: {  	_ = 	snop  }
0x3c: {  	p2 =	seq.s32 s10, $0x1;
	s10 =	sld [smem:$0x3FB3]  }
0x3d: {  	_ =	shalt  }
0x3e: {  	_ =	shalt  }
0x3f: {  	_ =	shalt  }
0x40: {  	_ =	shalt  }
0x41: {  	_ =	shalt  }
0x42: {  	_ =	shalt  }
0x43: {  	_ =	shalt  }
0x44: {  	_ =	shalt  }
0x45: {  	_ =	shalt  }
0x46: {  	_ =	shalt  }
0x47: {  	_ =	shalt  }
0x48: {  	_ =	shalt  }
0x49: {  	_ =	shalt  }
0x4a: {  	_ =	shalt  }
0x4b: {  	_ =	shalt  }
0x4c: {  	_ =	shalt  }
0x4d: {  	_ =	shalt  }
0x4e: {  	_ =	shalt  }
0x4f: {  	_ =	shalt  }
0x50: {  	_ =	shalt  }
0x51: {  	_ =	shalt  }
0x52: {  	_ =	shalt  }
0x53: {  	_ =	shalt  }
0x54: {  	_ =	shalt  }
0x55: {  	_ =	shalt  }
0x56: {  	_ =	shalt  }
0x57: {  	_ =	shalt  }
0x58: {  	_ =	shalt  }
0x59: {  	_ =	shalt  }
0x5a: {  	_ =	shalt  }
0x5b: {  	_ =	shalt  }
0x5c: {  	_ =	shalt  }
0x5d: {  	_ =	shalt  }
0x5e: {  	_ =	shalt  }
0x5f: {  	_ =	shalt  }
0x60: {  	_ =	shalt  }
0x61: {  	_ =	shalt  }
0x62: {  	_ =	shalt  }
0x63: {  	_ =	shalt  }
0x64: {  	_ =	shalt  }
0x65: {  	_ =	shalt  }
0x66: {  	_ =	shalt  }
0x67: {  	_ =	shalt  }
0x68: {  	_ =	shalt  }
0x69: {  	_ =	shalt  }
0x6a: {  	_ =	shalt  }
0x6b: {  	_ =	shalt  }
0x6c: {  	_ =	shalt  }
0x6d: {  	_ =	shalt  }
0x6e: {  	_ =	shalt  }
0x6f: {  	_ =	shalt  }
0x70: {  	_ =	shalt  }
0x71: {  	_ =	shalt  }
0x72: {  	_ =	shalt  }
0x73: {  	_ =	shalt  }
0x74: {  	_ =	shalt  }
0x75: {  	_ =	shalt  }
0x76: {  	_ =	shalt  }
0x77: {  	_ =	shalt  }
0x78: {  	_ =	shalt  }
0x79: {  	_ =	shalt  }
0x7a: {  	_ =	shalt  }
0x7b: {  	_ =	shalt  }
0x7c: {  	_ =	shalt  }
0x7d: {  	_ =	shalt  }
0x7e: {  	_ =	shalt  }
0x7f: {  	_ =	shalt  }
0x80: {  	_ =	shalt  }
0x81: {  	_ =	shalt  }
0x82: {  	_ =	shalt  }
0x83: {  	_ =	shalt  }
0x84: {  	_ =	shalt  }
0x85: {  	_ =	shalt  }
0x86: {  	_ =	shalt  }
0x87: {  	_ =	shalt  }
.Lfunc_end0:
.L_simem_size_0:
called_computation_lowered:
.L_overlay_start_0:
0x88: {  	s2 =	sld [smem:$0x3FD9]  }
0x89: {  	s3 =	sld [smem:$0x3FFE];
	_ =	sdelay $0x1  }
0x8a: {  	s1 =	srdreg.scid  }
0x8b: {  	s0 =	sand.u32 $0x1, s1  }
0x8c: {  	s14 =	sshll.u32 s0, $0xA;
	s2 =	sadd.s32 s3, s2  }
0x8d: {  	s2 =	sadd.s32 s2, s14  }
0x8e: {  	[smem:$0x3FBF] =	sst s2  }
0x8f: {  	_ = 	snop  }
0x90: {  	s2 =	sld [smem:$0x3FD0];
	_ =	sdelay $0x2  }
0x91: {  	s15 =	simm.s32 $0xA;
	s4 =	simm.s32 $0x10  }
0x92: {  	[smem:s4], [sflag:s15] =	dma.local [hbm:s2], $0x1  }
0x93: {  	_ =	swait.eq [sflag:s15], $0x1  }
0x94: {  	[sflag:s15] =	ssyncset.done $0x0  }
0x95: {  	[sflag:s15] =	ssyncadd.s32 $0xFFFFFFFF  }
0x96: {  	s16 =	sld [smem:$0x10];
	(tm) =	ssettm $0x1  }
0x97: {  	s17 =	sld [smem:$0x3FFB];
	_ =	sdelay $0x3  }
0x98: {  	_ =	strace s17  }
0x99: {  	s3 =	sld [smem:$0x3FFC];
	_ =	sdelay $0x3  }
0x9a: {  	_ =	strace s3  }
0x9b: {  	s3 =	sld [smem:$0x3FFD];
	_ =	sdelay $0x3  }
0x9c: {  	_ =	strace s3  }
0x9d: {  	_ =	strace $0x8FFFFFFF  }
0x9e: {  	s18 =	sld [smem:$0x3FDB];
	_ =	sdelay $0x1  }
0x9f: {  	s19 =	simm.s32 $_scs_section_size  }
0xa0: {  	s5 =	simm.s32 $_size__tile_overlayer_lowered;
	s6 =	simm.s32 $_tile_overlayer_lowered  }
0xa1: {  	s22 =	simm.s32 $0x1BFF;
	s21 =	sshll.u32 s6, $0x1;
	s3 =	sadd.s32 s19, s18  }
0xa2: {  	s7 =	simm.s32 $0x0;
	s20 =	sshll.u32 s5, $0x1;
	s5 =	sadd.s32 s21, s3  }
0xa3: {  	[timem:s7], [sflag:s22] =	dma.local [hbm:s5], s20  }
0xa4: {  	_ =	swait.ge [sflag:s22], s20  }
0xa5: {  	s4 =	ssub.s32 $0x0, s20;
	[sflag:s22] =	ssyncset.done $0x0  }
0xa6: {  	[sflag:s22] =	ssyncadd.s32 s4;
	_ =	sdelay $0x1  }
0xa7: {  	s23 =	simm.s32 $0x1B8B  }
0xa8: {  	_ =	swait.ge [sflag:s23], $0x1  }
0xa9: {  	[sflag:s23] =	ssyncset.done $0x0  }
0xaa: {  	s25 =	simm.s32 $0x1B8E;
	s24 =	sld [smem:$0x3FFE];
	[sflag:s23] =	ssyncadd.s32 $0xFFFFFFFF  }
0xab: {  	s26 =	simm.s32 $execute0_lowered;
	[smem:$0x3FD2] =	sst s25  }
0xac: {  	s5 =	sshll.u32 s26, $0x1;
	_ =	strace $0x80000046;
	[dreg:$0x1] =	wrdreg $0xFFFFFFFF  }
0xad: {  	s28 =	simm.s32 $_size_execute0_lowered;
	s3 =	sadd.s32 s3, s5;
	[dreg:$0x0] =	wrdreg $0x0  }
0xae: {  	s5 =	sshll.u32 s28, $0x1;
	[dreg:$0x2] =	wrdreg s3  }
0xaf: {  	[dreg:$0x3] =	wrdreg s5  }
0xb0: {  	[dreg:$0x4] =	wrdreg $0xC0  }
0xb1: {  	_ =	task [dreg:s7], $0x5FFFF  }
0xb2: {  	[dreg:$0x1] =	wrdreg $0xFFFFFFFF  }
0xb3: {  	[dreg:$0x0] =	wrdreg $0x60  }
0xb4: {  	[dreg:$0x2] =	wrdreg s24  }
0xb5: {  	[dreg:$0x3] =	wrdreg s16  }
0xb6: {  	[dreg:$0x4] =	wrdreg $0x2C000  }
0xb7: {  	[dreg:$0x5] =	wrdreg $0x9  }
0xb8: {  	_ =	task.clear_ibuf [dreg:s7], $0x6FFFF;
	_ =	strace $0x90000046  }
0xb9: {  	s29 =	simm.s32 $0x9;
	_ =	strace $0x80000048  }
0xba: {  	_ =	swait.ge [sflag:s29], $0x1  }
0xbb: {  	[sflag:s29] =	ssyncadd.s32 $0xFFFFFFFF  }
0xbc: {  	_ =	strace $0x90000048  }
0xbd: {  	_ =	sfence  }
0xbe: {  	s30 =	sld [smem:$0x0];
	_ =	sdelay $0x2  }
0xbf: {  	s31 =	sshll.u32 s1, $0xD;
	s1 =	sshrl.u32 s1, $0x2  }
0xc0: {  	s3 =	sand.u32 $0x4000, s31;
	s1 =	sadd.s32 s1, s30  }
0xc1: {  	s0 =	sor.u32 s3, s0;
	s1 =	sshll.u32 s1, $0x11  }
0xc2: {  	s0 =	sor.u32 s1, s0  }
0xc3: {  	s0 =	sadd.s32 $0x8F2B, s0  }
0xc4: {  	[sflag:s0] =	ssyncadd.remote.s32 $0x1  }
0xc5: {  	_ =	sfence.sel $0xFFFF  }
0xc6: {  	[dreg:$0x0] =	wrdreg $0xFFFFFFFF;
	(pc) =	sbr.abs _section_cstart, $3  }
0xc7: {  	[dreg:$0x1] =	wrdreg $0xFFFFFFFF  }
0xc8: {  	_ =	task.clear_ibuf [dreg:s7], $0x2FFFF;
	_ =	strace $0x9FFFFFFF  }
0xc9: {  	(tm) =	ssettm $0x7FFFFFFF  }
tec
execute0_lowered:
.L_overlay_start_1:
0x0: {  	(tag) =	ssettag $0x1  }
0x1: {  	s5 =	rddreg [dreg:$0x0]  }
0x2: {  	s1 =	srdreg.scid;
	s2 =	rddreg [dreg:$0x1]  }
0x3: {  	s0 =	stileid.u32;
	s3 =	rddreg [dreg:$0x2];
	s4 =	simm.s32 $0x0  }
0x4: {  	s13 =	simm.s32 $0x80;
	s14 =	simm.s32 $0x0;
	s6 =	sand.u32 $0x1, s1  }
0x5: {  	s30 =	sshll.u32 s0, $0x1;
	s8 =	smul.u32 $0x13C0, s0;
	[smem:$0x7FF] =	sst s4  }
0x6: {  	s31 =	sshll.u32 s0, $0x6;
	s1 =	sor.u32 s6, s30;
	s9 =	smul.u32 $0x13C00, s6  }
0x7: {  	s6 =	ssub.s32 $0x2, s6;
	s7 =	smul.u32 $0x500, s1;
	s1 =	rddreg [dreg:$0x3]  }
0x8: {  	_ =	strace $0x80000047;
	s10 =	sshrl.u32 s8, $0x3;
	s11 =	sshrl.u32 s6, $0x1  }
0x9: {  	s12 =	sadd.s32 s8, s3;
	s9 =	sadd.s32 s8, s9;
	s10 =	sadd.s32 s10, s5  }
0xa: {  	s11 =	ssub.s32 s6, s11;
	s6 =	sor.u32 $0x1C01, s31;
	s9 =	sshrl.u32 s9, $0x3  }
0xb: {  	s7 =	sadd.s32 s7, s5;
	s9 =	sadd.s32 s9, s5;
	s5 =	sadd.s32 $0xC400, s10  }
0xc: {  	s7 =	sadd.s32 $0x2400, s7;
	s10 =	sshrl.u32 s12, $0x3;
	s12 =	simm.s32 $0x2800  }
0xd: {  	s8 =	sadd.s32 $0xEC00, s9;
	s9 =	smax.u32 s11, $0x1;
	s11 =	simm.s32 $0x1  }
.LBB2_1:
0xe: {  	[spmem:s10], [sflag:s6] =	dma.local [hbm:s5], $0x278  }
0xf: {  	_ =	swait.ge [sflag:s11], $0x278  }
0x10: {  	[sflag:s11] =	ssyncset.done $0x0  }
0x11: {  	[sflag:s11] =	ssyncadd.s32 $0xFFFFFD88  }
0x12: {  	[tilespmem:s4], [sflag:$0x1] =	stream.linear.gather [hbm4b:s7+s4], $0x2800, $0x38;
	[tilespmem:$0x3FC0] =	vst v63  }
0x13: {  	_ =	swait.ge [sflag:s11], $0x2800  }
0x14: {  	[sflag:s11] =	ssyncset.done $0x0  }
0x15: {  	[sflag:s11] =	ssyncadd.s32 $0xFFFFD800  }
0x16: {  	[tilespmem:s12], [sflag:$0x1] =	stream.linear.gather [hbm4b:s2+s4], $0x400, $0x38;
	[tilespmem:$0x3FC0] =	vst v63  }
0x17: {  	_ =	swait.ge [sflag:s11], $0x400  }
0x18: {  	[sflag:s11] =	ssyncset.done $0x0  }
0x19: {  	[sflag:s11] =	ssyncadd.s32 $0xFFFFFC00  }
0x1a: {  	s15 =	simm.s32 $0x0;
	[bflag:$0x0] =	sbarrier.arrive $0xFFFF  }
0x1b: {  	[spmem:s3] =	stream.indirect.scatter.add.f32 [tilespmem:s12], [sflag:$0x1], $0x8, s15, s13, $0xb8;
	[tilespmem:$0x3FC0] =	vst v63  }
0x1c: {  	_ =	swait.ge [sflag:s11], $0x400  }
0x1d: {  	s15 =	simm.s32 $0x200;
	[sflag:s11] =	ssyncset.done $0x0  }
.LBB2_2:
0x1e: {  	s16 =	sshra.s32 s15, $0x2;
	[sflag:s11] =	ssyncadd.s32 $0xFFFFFC00;
	p0 =	sne.s32 s15, $0x9E00  }
0x1f: {  	[spmem:s3] =	stream.indirect.scatter.add.f32 [tilespmem:s12], [sflag:$0x1], $0x8, s16, s13, $0xb8;
	[tilespmem:$0x3FC0] =	vst v63  }
.Ltmp0:
0x20: {  	_ = 	snop;
	(pc) =	sbr.rel @p0 .LBB2_2-.Ltmp0, $4  }
0x21: {  	_ = 	snop  }
0x22: {  	s15 =	sadd.s32 $0x200, s15  }
0x23: {  	_ =	swait.ge [sflag:s11], $0x400  }
0x24: {  	[sflag:s11] =	ssyncset.done $0x0  }
0x25: {  	s14 =	sadd.s32 $0x1, s14  }
0x26: {  	[sflag:s11] =	ssyncadd.s32 $0xFFFFFC00;
	p0 =	sne.s32 s14, s9  }
.Ltmp1:
0x27: {  	[bflag:$0x0] =	sbarrier.arrive $0xFFFF;
	(pc) =	sbr.rel @p0 .LBB2_1-.Ltmp1, $4  }
0x28: {  	[hbm:s8], [sflag:s6] =	dma.local [spmem:s10], $0x278  }
0x29: {  	_ =	swait.ge [sflag:s11], $0x278  }
0x2a: {  	[sflag:s11] =	ssyncset.done $0x0  }
0x2b: {  	[sflag:s11] =	ssyncadd.s32 $0xFFFFFD88  }
0x2c: {  	_ =	sfence.sel $0x180000  }
0x2d: {  	[bflag:$0x0] =	sbarrier.arrive $0xFFFF  }
0x2e: {  	p0 =	sne.s32 s0, $0x0;
	_ =	strace $0x90000047  }
0x2f: {  	s0 =	sadd.s32 @!p0 $0x100000, s1;
	[bflag:$0x2] =	sbarrier.arrive $0xFFFF  }
0x30: {  	[sflag:s0] =	ssyncadd.tile.s32 @!p0 $0x1;
	_ =	shalt  }
.Lfunc_end2:
_tile_overlayer_lowered:
.L_overlay_start_2:
0x31: {  	(tag) =	ssettag $0x2  }
0x32: {  	s0 =	rddreg [dreg:$0x0];
	s2 =	stileid.u32  }
0x33: {  	s1 =	rddreg [dreg:$0x1];
	p0 =	sne.s32 s2, $0x0  }
0x34: {  	s3 =	rddreg [dreg:$0x2];
	[bflag:$0x3] =	sbarrier.arrive $0xFFFF;
	s2 =	simm.s32 @!p0 $0x1C01  }
0x35: {  	[timem:s3], [sflag:s2] =	dma.local @!p0 [hbm:s0], s1  }
0x36: {  	s0 =	simm.s32 @!p0 $0x1  }
0x37: {  	_ =	swait.ge @!p0 [sflag:s0], s1  }
0x38: {  	s1 =	ssub.s32 @!p0 $0x0, s1;
	[sflag:s0] =	ssyncset.done @!p0 $0x0  }
0x39: {  	[sflag:s0] =	ssyncadd.s32 @!p0 s1  }
0x3a: {  	[bflag:$0x3] =	sbarrier.arrive $0xFFFF  }
0x3b: {  	_ =	shalt  }

// kernel: kernel.13.cloned.1.call-start
scs
__scs_entry_jumppad:
0x0: {  	(pc) =	sbr.rel $0x88, $3  }
0x1: {  	(tag) =	ssettag $0x0;
	lr =	simm.s32 $0x1  }
0x2: {  	[smem:$0x3F98] =	sst lr;
	_ =	strace $0xD0000000  }
0x3: {  	_ = 	snop  }
0x4: {  	_ = 	snop  }
0x5: {  	_ = 	snop  }
0x6: {  	_ = 	snop  }
0x7: {  	_ = 	snop  }
__scs_overlays_trampoline_lowered:
0x8: {  	[smem:$0x3FA7] =	sst s0  }
0x9: {  	[smem:$0x3FA8] =	sst s1  }
0xa: {  	[smem:$0x3FA9] =	sst s2  }
0xb: {  	[smem:$0x3FAA] =	sst s3  }
0xc: {  	[smem:$0x3FAB] =	sst s4  }
0xd: {  	[smem:$0x3FAC] =	sst s5  }
0xe: {  	[smem:$0x3FAD] =	sst s6  }
0xf: {  	[smem:$0x3FAE] =	sst s7  }
0x10: {  	[smem:$0x3FAF] =	sst s8  }
0x11: {  	[smem:$0x3FB0] =	sst s9;
	s0 =	simm.s32 @!p0 $0x0  }
0x12: {  	s1 =	sld [smem:$0x3F96];
	s0 =	simm.s32 @p0 $0x1  }
0x13: {  	[smem:$0x3FB1] =	sst s0;
	s0 =	simm.s32 @!p1 $0x0  }
0x14: {  	s2 =	sld [smem:$0x3F95];
	s0 =	simm.s32 @p1 $0x1  }
0x15: {  	[smem:$0x3FB2] =	sst s0;
	s0 =	simm.s32 @!p2 $0x0  }
0x16: {  	s3 =	sld [smem:$0x3FDB];
	s0 =	simm.s32 @p2 $0x1  }
0x17: {  	s4 =	simm.s32 $0x1BF5;
	[smem:$0x3FB4] =	sst s0  }
0x18: {  	s0 =	sld [smem:$0x3F97];
	_ =	swait.ge [sflag:s4], $0x0  }
0x19: {  	s7 =	sld [smem:$0x3F98]  }
0x1a: {  	s8 =	sadd.s32 $0xFFFFE003, lr  }
0x1b: {  	s9 =	sadd.s32 $0xFFFFFEF7, lr;
	s5 =	simm.s32 $0xFFFFFFFF;
	p2 =	slt.u32 s8, $0xFFFFF086  }
0x1c: {  	p1 =	slt.u32 s9, $0xF7A;
	s5 =	simm.s32 @!p2 $0x0  }
0x1d: {  	s5 =	simm.s32 @p1 $0x1;
	p0 =	seq.s32 s7, s2  }
0x1e: {  	s7 =	smul.u32 @!p0 $0xF7A, s2;
	p2 =	seq.s32 @!p0 s5, $0x0  }
0x1f: {  	s9 =	smul.u32 $0xF7A, s1;
	s8 =	simm.s32 @!p0 $0x1BF5;
	p2 =	por !p2, p0  }
0x20: {  	[sflag:s8] =	ssyncset.s32 @!p0 $0xFFFFF086;
	s6 =	sadd.s32 @!p0 s3, s7;
	s7 =	simm.s32 @!p0 $0x108  }
0x21: {  	s3 =	sadd.s32 s3, s9;
	s6 =	sadd.s32 @!p0 $0x88, s6;
	s7 =	simm.s32 @p2 $0x1082  }
0x22: {  	[simem:s7], [sflag:s8] =	dma.local @!p0 [hbm:s6], $0xF7A  }
0x23: {  	s9 =	sor.u32 $0xD0000000, s2;
	s6 =	simm.s32 $0x108;
	_ =	swait.ge @!p0 [sflag:s8], $0x0  }
0x24: {  	s3 =	sadd.s32 $0x88, s3;
	s6 =	simm.s32 @!p1 $0x1082;
	[sflag:s4] =	ssyncset.s32 $0xFFFFF086  }
0x25: {  	[simem:s6], [sflag:s4] =	dma.local [hbm:s3], $0xF7A  }
0x26: {  	[smem:$0x3F98] =	sst s1;
	(tag) =	ssettag s2;
	_ =	strace s9  }
0x27: {  	s1 =	sld [smem:$0x3FA8]  }
0x28: {  	s2 =	sld [smem:$0x3FA9]  }
0x29: {  	s4 =	sld [smem:$0x3FAB]  }
0x2a: {  	p0 =	seq.s32 s5, $0x0;
	s5 =	sld [smem:$0x3FAC]  }
0x2b: {  	s6 =	sld [smem:$0x3FAD]  }
0x2c: {  	s7 =	sld [smem:$0x3FAE]  }
0x2d: {  	s3 =	simm.s32 $0x108;
	s8 =	sld [smem:$0x3FAF]  }
0x2e: {  	s3 =	simm.s32 @!p0 $0x1082;
	s9 =	sld [smem:$0x3FB0]  }
0x2f: {  	lr =	sadd.s32 s0, s3;
	s0 =	sld [smem:$0x3FA7]  }
0x30: {  	s3 =	sld [smem:$0x3FAA]  }
0x31: {  	[smem:$0x3FB3] =	sst s10  }
0x32: {  	s10 =	sld [smem:$0x3FB1];
	_ =	sdelay $0x3  }
0x33: {  	p0 =	seq.s32 s10, $0x1;
	s10 =	sld [smem:$0x3FB3];
	_ =	sdelay $0x3  }
0x34: {  	[smem:$0x3FB3] =	sst s10  }
0x35: {  	s10 =	sld [smem:$0x3FB2];
	_ =	sdelay $0x3  }
0x36: {  	p1 =	seq.s32 s10, $0x1;
	s10 =	sld [smem:$0x3FB3];
	_ =	sdelay $0x3  }
0x37: {  	[smem:$0x3FB3] =	sst s10  }
0x38: {  	s10 =	sld [smem:$0x3FB4]  }
0x39: {  	_ = 	snop;
	(pc) =	sbr.ind lr, $3  }
0x3a: {  	_ = 	snop  }
0x3b: {  	_ = 	snop  }
0x3c: {  	p2 =	seq.s32 s10, $0x1;
	s10 =	sld [smem:$0x3FB3]  }
0x3d: {  	_ =	shalt  }
0x3e: {  	_ =	shalt  }
0x3f: {  	_ =	shalt  }
0x40: {  	_ =	shalt  }
0x41: {  	_ =	shalt  }
0x42: {  	_ =	shalt  }
0x43: {  	_ =	shalt  }
0x44: {  	_ =	shalt  }
0x45: {  	_ =	shalt  }
0x46: {  	_ =	shalt  }
0x47: {  	_ =	shalt  }
0x48: {  	_ =	shalt  }
0x49: {  	_ =	shalt  }
0x4a: {  	_ =	shalt  }
0x4b: {  	_ =	shalt  }
0x4c: {  	_ =	shalt  }
0x4d: {  	_ =	shalt  }
0x4e: {  	_ =	shalt  }
0x4f: {  	_ =	shalt  }
0x50: {  	_ =	shalt  }
0x51: {  	_ =	shalt  }
0x52: {  	_ =	shalt  }
0x53: {  	_ =	shalt  }
0x54: {  	_ =	shalt  }
0x55: {  	_ =	shalt  }
0x56: {  	_ =	shalt  }
0x57: {  	_ =	shalt  }
0x58: {  	_ =	shalt  }
0x59: {  	_ =	shalt  }
0x5a: {  	_ =	shalt  }
0x5b: {  	_ =	shalt  }
0x5c: {  	_ =	shalt  }
0x5d: {  	_ =	shalt  }
0x5e: {  	_ =	shalt  }
0x5f: {  	_ =	shalt  }
0x60: {  	_ =	shalt  }
0x61: {  	_ =	shalt  }
0x62: {  	_ =	shalt  }
0x63: {  	_ =	shalt  }
0x64: {  	_ =	shalt  }
0x65: {  	_ =	shalt  }
0x66: {  	_ =	shalt  }
0x67: {  	_ =	shalt  }
0x68: {  	_ =	shalt  }
0x69: {  	_ =	shalt  }
0x6a: {  	_ =	shalt  }
0x6b: {  	_ =	shalt  }
0x6c: {  	_ =	shalt  }
0x6d: {  	_ =	shalt  }
0x6e: {  	_ =	shalt  }
0x6f: {  	_ =	shalt  }
0x70: {  	_ =	shalt  }
0x71: {  	_ =	shalt  }
0x72: {  	_ =	shalt  }
0x73: {  	_ =	shalt  }
0x74: {  	_ =	shalt  }
0x75: {  	_ =	shalt  }
0x76: {  	_ =	shalt  }
0x77: {  	_ =	shalt  }
0x78: {  	_ =	shalt  }
0x79: {  	_ =	shalt  }
0x7a: {  	_ =	shalt  }
0x7b: {  	_ =	shalt  }
0x7c: {  	_ =	shalt  }
0x7d: {  	_ =	shalt  }
0x7e: {  	_ =	shalt  }
0x7f: {  	_ =	shalt  }
0x80: {  	_ =	shalt  }
0x81: {  	_ =	shalt  }
0x82: {  	_ =	shalt  }
0x83: {  	_ =	shalt  }
0x84: {  	_ =	shalt  }
0x85: {  	_ =	shalt  }
0x86: {  	_ =	shalt  }
0x87: {  	_ =	shalt  }
.Lfunc_end0:
.L_simem_size_0:
called_computation.1_lowered:
.L_overlay_start_0:
0x88: {  	s2 =	sld [smem:$0x3FD9]  }
0x89: {  	s3 =	sld [smem:$0x3FFE];
	_ =	sdelay $0x1  }
0x8a: {  	s1 =	srdreg.scid  }
0x8b: {  	s0 =	sand.u32 $0x1, s1  }
0x8c: {  	s16 =	sshll.u32 s0, $0xA;
	s2 =	sadd.s32 s3, s2  }
0x8d: {  	s2 =	sadd.s32 s2, s16  }
0x8e: {  	[smem:$0x3FBF] =	sst s2  }
0x8f: {  	_ = 	snop  }
0x90: {  	(tm) =	ssettm $0x1  }
0x91: {  	s17 =	sld [smem:$0x3FFB];
	_ =	sdelay $0x3  }
0x92: {  	_ =	strace s17  }
0x93: {  	s2 =	sld [smem:$0x3FFC];
	_ =	sdelay $0x3  }
0x94: {  	_ =	strace s2  }
0x95: {  	s2 =	sld [smem:$0x3FFD];
	_ =	sdelay $0x3  }
0x96: {  	_ =	strace s2  }
0x97: {  	_ =	strace $0x8FFFFFFF  }
0x98: {  	s18 =	sld [smem:$0x3FDB];
	_ =	sdelay $0x1  }
0x99: {  	s19 =	simm.s32 $_scs_section_size  }
0x9a: {  	s4 =	simm.s32 $_size__tile_overlayer_lowered;
	s5 =	simm.s32 $_tile_overlayer_lowered  }
0x9b: {  	s22 =	simm.s32 $0x1BFF;
	s21 =	sshll.u32 s5, $0x1;
	s2 =	sadd.s32 s19, s18  }
0x9c: {  	s6 =	simm.s32 $0x0;
	s20 =	sshll.u32 s4, $0x1;
	s4 =	sadd.s32 s21, s2  }
0x9d: {  	[timem:s6], [sflag:s22] =	dma.local [hbm:s4], s20  }
0x9e: {  	_ =	swait.ge [sflag:s22], s20  }
0x9f: {  	s3 =	ssub.s32 $0x0, s20;
	[sflag:s22] =	ssyncset.done $0x0  }
0xa0: {  	[sflag:s22] =	ssyncadd.s32 s3;
	_ =	sdelay $0x1  }
0xa1: {  	s23 =	simm.s32 $0x1B8B  }
0xa2: {  	_ =	swait.ge [sflag:s23], $0x1  }
0xa3: {  	[sflag:s23] =	ssyncset.done $0x0  }
0xa4: {  	s25 =	simm.s32 $0x1B8E;
	s24 =	sld [smem:$0x3FFE];
	[sflag:s23] =	ssyncadd.s32 $0xFFFFFFFF  }
0xa5: {  	s26 =	simm.s32 $execute0_lowered;
	[smem:$0x3FD2] =	sst s25  }
0xa6: {  	s4 =	sshll.u32 s26, $0x1;
	_ =	strace $0x80000049;
	[dreg:$0x1] =	wrdreg $0xFFFFFFFF  }
0xa7: {  	s28 =	simm.s32 $_size_execute0_lowered;
	s2 =	sadd.s32 s2, s4;
	[dreg:$0x0] =	wrdreg $0x0  }
0xa8: {  	s4 =	sshll.u32 s28, $0x1;
	[dreg:$0x2] =	wrdreg s2  }
0xa9: {  	[dreg:$0x3] =	wrdreg s4  }
0xaa: {  	[dreg:$0x4] =	wrdreg $0xC0  }
0xab: {  	_ =	task [dreg:s6], $0x5FFFF  }
0xac: {  	[dreg:$0x1] =	wrdreg $0xFFFFFFFF  }
0xad: {  	[dreg:$0x0] =	wrdreg $0x60  }
0xae: {  	[dreg:$0x2] =	wrdreg s24  }
0xaf: {  	[dreg:$0x3] =	wrdreg $0x70000  }
0xb0: {  	[dreg:$0x4] =	wrdreg $0x97800  }
0xb1: {  	[dreg:$0x5] =	wrdreg $0x9  }
0xb2: {  	_ =	task.clear_ibuf [dreg:s6], $0x6FFFF;
	_ =	strace $0x90000049  }
0xb3: {  	s29 =	simm.s32 $0x9;
	_ =	strace $0x8000004B  }
0xb4: {  	_ =	swait.ge [sflag:s29], $0x1  }
0xb5: {  	[sflag:s29] =	ssyncadd.s32 $0xFFFFFFFF  }
0xb6: {  	_ =	strace $0x9000004B  }
0xb7: {  	_ =	sfence  }
0xb8: {  	s30 =	sld [smem:$0x0];
	_ =	sdelay $0x2  }
0xb9: {  	s31 =	sshll.u32 s1, $0xD;
	s1 =	sshrl.u32 s1, $0x2  }
0xba: {  	s3 =	sand.u32 $0x4000, s31;
	s1 =	sadd.s32 s1, s30  }
0xbb: {  	s0 =	sor.u32 s3, s0;
	s1 =	sshll.u32 s1, $0x11  }
0xbc: {  	s0 =	sor.u32 s1, s0  }
0xbd: {  	s0 =	sadd.s32 $0x8F2B, s0  }
0xbe: {  	[sflag:s0] =	ssyncadd.remote.s32 $0x1  }
0xbf: {  	_ =	sfence.sel $0xFFFF  }
0xc0: {  	[dreg:$0x0] =	wrdreg $0xFFFFFFFF;
	(pc) =	sbr.abs _section_cstart, $3  }
0xc1: {  	[dreg:$0x1] =	wrdreg $0xFFFFFFFF  }
0xc2: {  	_ =	task.clear_ibuf [dreg:s6], $0x2FFFF;
	_ =	strace $0x9FFFFFFF  }
0xc3: {  	(tm) =	ssettm $0x7FFFFFFF  }
tec
execute0_lowered:
.L_overlay_start_1:
0x0: {  	(tag) =	ssettag $0x1  }
0x1: {  	s5 =	rddreg [dreg:$0x0]  }
0x2: {  	s2 =	rddreg [dreg:$0x1]  }
0x3: {  	s3 =	rddreg [dreg:$0x2]  }
0x4: {  	s0 =	rddreg [dreg:$0x3]  }
0x5: {  	s1 =	stileid.u32;
	s6 =	srdreg.scid  }
0x6: {  	s4 =	simm.s32 $0x0;
	s16 =	simm.s32 $0x80;
	s17 =	simm.s32 $0x5000  }
0x7: {  	s18 =	simm.s32 $0x5800;
	s19 =	simm.s32 $0x6000;
	s20 =	simm.s32 $0x6800  }
0x8: {  	s21 =	simm.s32 $0x1;
	s22 =	simm.s32 $0x2;
	s23 =	simm.s32 $0x3  }
0x9: {  	s24 =	simm.s32 $0x4;
	s25 =	simm.s32 $0x0;
	s7 =	smul.u32 $0x2780, s1  }
0xa: {  	s6 =	sand.u32 $0x1, s6;
	[smem:$0x7FF] =	sst s4;
	s8 =	sshll.u32 s1, $0x1  }
0xb: {  	s31 =	sshll.u32 s1, $0x6;
	s9 =	smul.u32 $0x27800, s6;
	_ =	strace $0x8000004A  }
0xc: {  	s8 =	sor.u32 s6, s8;
	s6 =	ssub.s32 $0x2, s6;
	s10 =	sshrl.u32 s7, $0x3  }
0xd: {  	s8 =	smul.u32 $0x500, s8;
	s11 =	sshrl.u32 s6, $0x1;
	s14 =	sadd.s32 s7, s2  }
0xe: {  	s15 =	sadd.s32 s7, s3;
	s9 =	sadd.s32 s7, s9;
	s10 =	sadd.s32 s10, s5  }
0xf: {  	s11 =	ssub.s32 s6, s11;
	s6 =	sor.u32 $0x1C05, s31;
	s9 =	sshrl.u32 s9, $0x3  }
0x10: {  	s12 =	sadd.s32 s8, s5;
	s7 =	sadd.s32 $0xC400, s10;
	s11 =	smax.u32 s11, $0x1  }
0x11: {  	s13 =	sadd.s32 s9, s5;
	s5 =	sadd.s32 $0x1DC00, s10;
	s8 =	sadd.s32 $0x13C00, s12  }
0x12: {  	s9 =	sadd.s32 $0x2400, s12;
	s12 =	sshrl.u32 s14, $0x3;
	s14 =	sshrl.u32 s15, $0x3  }
0x13: {  	s15 =	simm.s32 $0x2800;
	s10 =	sadd.s32 $0x22C00, s13;
	s13 =	simm.s32 $0x5  }
.LBB2_1:
0x14: {  	[spmem:s12], [sflag:s6] =	dma.local [hbm:s5], $0x4F0  }
0x15: {  	_ =	swait.ge [sflag:s13], $0x4F0  }
0x16: {  	[sflag:s13] =	ssyncset.done $0x0  }
0x17: {  	[sflag:s13] =	ssyncadd.s32 $0xFFFFFB10  }
0x18: {  	[spmem:s14], [sflag:s6] =	dma.local [hbm:s7], $0x4F0  }
0x19: {  	_ =	swait.ge [sflag:s13], $0x4F0  }
0x1a: {  	[sflag:s13] =	ssyncset.done $0x0  }
0x1b: {  	[sflag:s13] =	ssyncadd.s32 $0xFFFFFB10  }
0x1c: {  	[tilespmem:s4], [sflag:$0x5] =	stream.linear.gather [hbm4b:s8+s4], $0x2800, $0x38;
	[tilespmem:$0xBF00] =	vst v63  }
0x1d: {  	_ =	swait.ge [sflag:s13], $0x2800  }
0x1e: {  	[sflag:s13] =	ssyncset.done $0x0  }
0x1f: {  	[sflag:s13] =	ssyncadd.s32 $0xFFFFD800  }
0x20: {  	[tilespmem:s15], [sflag:$0x5] =	stream.linear.gather [hbm4b:s9+s4], $0x2800, $0x38;
	[tilespmem:$0xBF00] =	vst v63  }
0x21: {  	_ =	swait.ge [sflag:s13], $0x2800  }
0x22: {  	[sflag:s13] =	ssyncset.done $0x0  }
0x23: {  	[sflag:s13] =	ssyncadd.s32 $0xFFFFD800  }
0x24: {  	s26 =	simm.s32 $0x0;
	[bflag:$0x0] =	sbarrier.arrive $0xFFFF  }
0x25: {  	[tilespmem:s17], [sflag:$0x1] =	stream.indirect.gather [spmem:s3], $0x10, s26, s16, $0xb8;
	[tilespmem:$0xBF00] =	vst v63  }
0x26: {  	s31 =	simm.s32 $0x80  }
0x27: {  	[tilespmem:s18], [sflag:$0x2] =	stream.indirect.gather [spmem:s3], $0x10, s31, s16, $0xb8;
	[tilespmem:$0xBF00] =	vst v63  }
0x28: {  	s28 =	simm.s32 $0x100  }
0x29: {  	[tilespmem:s19], [sflag:$0x3] =	stream.indirect.gather [spmem:s3], $0x10, s28, s16, $0xb8;
	[tilespmem:$0xBF00] =	vst v63  }
0x2a: {  	s29 =	simm.s32 $0x180  }
0x2b: {  	[tilespmem:s20], [sflag:$0x4] =	stream.indirect.gather [spmem:s3], $0x10, s29, s16, $0xb8;
	[tilespmem:$0xBF00] =	vst v63  }
0x2c: {  	_ =	swait.ge [sflag:s21], $0x800  }
0x2d: {  	[sflag:s21] =	ssyncset.done $0x0  }
0x2e: {  	s31 =	simm.s32 $0x2800;
	[sflag:s21] =	ssyncadd.s32 $0xFFFFF800  }
0x2f: {  	[spmem:s2] =	stream.indirect.scatter.add.f32 [tilespmem:s17], [sflag:$0x5], $0x10, s31, s16, $0xb8;
	[tilespmem:$0xBF00] =	vst v63  }
0x30: {  	_ =	swait.ge [sflag:s13], $0x800  }
0x31: {  	[sflag:s13] =	ssyncset.done $0x0  }
0x32: {  	[sflag:s13] =	ssyncadd.s32 $0xFFFFF800  }
0x33: {  	_ =	swait.ge [sflag:s22], $0x800  }
0x34: {  	[sflag:s22] =	ssyncset.done $0x0  }
0x35: {  	s28 =	simm.s32 $0x2880;
	[sflag:s22] =	ssyncadd.s32 $0xFFFFF800  }
0x36: {  	[spmem:s2] =	stream.indirect.scatter.add.f32 [tilespmem:s18], [sflag:$0x5], $0x10, s28, s16, $0xb8;
	[tilespmem:$0xBF00] =	vst v63  }
0x37: {  	_ =	swait.ge [sflag:s13], $0x800  }
0x38: {  	[sflag:s13] =	ssyncset.done $0x0  }
0x39: {  	[sflag:s13] =	ssyncadd.s32 $0xFFFFF800  }
0x3a: {  	_ =	swait.ge [sflag:s23], $0x800  }
0x3b: {  	[sflag:s23] =	ssyncset.done $0x0  }
0x3c: {  	s29 =	simm.s32 $0x2900;
	[sflag:s23] =	ssyncadd.s32 $0xFFFFF800  }
0x3d: {  	[spmem:s2] =	stream.indirect.scatter.add.f32 [tilespmem:s19], [sflag:$0x5], $0x10, s29, s16, $0xb8;
	[tilespmem:$0xBF00] =	vst v63  }
0x3e: {  	_ =	swait.ge [sflag:s13], $0x800  }
0x3f: {  	[sflag:s13] =	ssyncset.done $0x0  }
0x40: {  	[sflag:s13] =	ssyncadd.s32 $0xFFFFF800  }
0x41: {  	_ =	swait.ge [sflag:s24], $0x800  }
0x42: {  	[sflag:s24] =	ssyncset.done $0x0  }
0x43: {  	s31 =	simm.s32 $0x2980;
	[sflag:s24] =	ssyncadd.s32 $0xFFFFF800  }
0x44: {  	[spmem:s2] =	stream.indirect.scatter.add.f32 [tilespmem:s20], [sflag:$0x5], $0x10, s31, s16, $0xb8;
	[tilespmem:$0xBF00] =	vst v63  }
0x45: {  	_ =	swait.ge [sflag:s13], $0x800  }
0x46: {  	s30 =	simm.s32 $0x1000;
	s26 =	simm.s32 $0x800;
	[sflag:s13] =	ssyncset.done $0x0  }
.LBB2_2:
0x47: {  	s29 =	sshra.s32 s26, $0x2  }
0x48: {  	[sflag:s13] =	ssyncadd.s32 $0xFFFFF800;
	s26 =	smov.u32 s30;
	s28 =	sadd.s32 $0x800, s30  }
0x49: {  	[tilespmem:s17], [sflag:$0x1] =	stream.indirect.gather [spmem:s3], $0x10, s29, s16, $0xb8;
	[tilespmem:$0xBF00] =	vst v63  }
0x4a: {  	p0 =	sne.s32 s30, $0x9800;
	s30 =	sadd.s32 $0x80, s29  }
0x4b: {  	[tilespmem:s18], [sflag:$0x2] =	stream.indirect.gather [spmem:s3], $0x10, s30, s16, $0xb8;
	[tilespmem:$0xBF00] =	vst v63  }
0x4c: {  	s30 =	sadd.s32 $0x100, s29  }
0x4d: {  	[tilespmem:s19], [sflag:$0x3] =	stream.indirect.gather [spmem:s3], $0x10, s30, s16, $0xb8;
	[tilespmem:$0xBF00] =	vst v63  }
0x4e: {  	s30 =	sadd.s32 $0x180, s29  }
0x4f: {  	[tilespmem:s20], [sflag:$0x4] =	stream.indirect.gather [spmem:s3], $0x10, s30, s16, $0xb8;
	[tilespmem:$0xBF00] =	vst v63  }
0x50: {  	_ =	swait.ge [sflag:s21], $0x800  }
0x51: {  	[sflag:s21] =	ssyncset.done $0x0  }
0x52: {  	s30 =	sadd.s32 $0x2800, s29;
	[sflag:s21] =	ssyncadd.s32 $0xFFFFF800  }
0x53: {  	[spmem:s2] =	stream.indirect.scatter.add.f32 [tilespmem:s17], [sflag:$0x5], $0x10, s30, s16, $0xb8;
	[tilespmem:$0xBF00] =	vst v63  }
0x54: {  	_ =	swait.ge [sflag:s13], $0x800  }
0x55: {  	[sflag:s13] =	ssyncset.done $0x0  }
0x56: {  	[sflag:s13] =	ssyncadd.s32 $0xFFFFF800  }
0x57: {  	_ =	swait.ge [sflag:s22], $0x800  }
0x58: {  	[sflag:s22] =	ssyncset.done $0x0  }
0x59: {  	s30 =	sadd.s32 $0x2880, s29;
	[sflag:s22] =	ssyncadd.s32 $0xFFFFF800  }
0x5a: {  	[spmem:s2] =	stream.indirect.scatter.add.f32 [tilespmem:s18], [sflag:$0x5], $0x10, s30, s16, $0xb8;
	[tilespmem:$0xBF00] =	vst v63  }
0x5b: {  	_ =	swait.ge [sflag:s13], $0x800  }
0x5c: {  	[sflag:s13] =	ssyncset.done $0x0  }
0x5d: {  	[sflag:s13] =	ssyncadd.s32 $0xFFFFF800  }
0x5e: {  	_ =	swait.ge [sflag:s23], $0x800  }
0x5f: {  	[sflag:s23] =	ssyncset.done $0x0  }
0x60: {  	s30 =	sadd.s32 $0x2900, s29;
	[sflag:s23] =	ssyncadd.s32 $0xFFFFF800  }
0x61: {  	[spmem:s2] =	stream.indirect.scatter.add.f32 [tilespmem:s19], [sflag:$0x5], $0x10, s30, s16, $0xb8;
	[tilespmem:$0xBF00] =	vst v63  }
0x62: {  	_ =	swait.ge [sflag:s13], $0x800  }
0x63: {  	[sflag:s13] =	ssyncset.done $0x0  }
0x64: {  	[sflag:s13] =	ssyncadd.s32 $0xFFFFF800  }
0x65: {  	_ =	swait.ge [sflag:s24], $0x800  }
.Ltmp0:
0x66: {  	[sflag:s24] =	ssyncset.done $0x0;
	(pc) =	sbr.rel @p0 .LBB2_2-.Ltmp0, $4  }
0x67: {  	s29 =	sadd.s32 $0x2980, s29;
	[sflag:s24] =	ssyncadd.s32 $0xFFFFF800  }
0x68: {  	[spmem:s2] =	stream.indirect.scatter.add.f32 [tilespmem:s20], [sflag:$0x5], $0x10, s29, s16, $0xb8;
	[tilespmem:$0xBF00] =	vst v63  }
0x69: {  	_ =	swait.ge [sflag:s13], $0x800  }
0x6a: {  	s30 =	smov.u32 s28;
	[sflag:s13] =	ssyncset.done $0x0  }
0x6b: {  	s26 =	sshra.s32 s26, $0x2;
	[sflag:s13] =	ssyncadd.s32 $0xFFFFF800  }
0x6c: {  	[tilespmem:s17], [sflag:$0x1] =	stream.indirect.gather [spmem:s3], $0x10, s26, s16, $0xb8;
	[tilespmem:$0xBF00] =	vst v63  }
0x6d: {  	s28 =	sadd.s32 $0x80, s26  }
0x6e: {  	[tilespmem:s18], [sflag:$0x2] =	stream.indirect.gather [spmem:s3], $0x10, s28, s16, $0xb8;
	[tilespmem:$0xBF00] =	vst v63  }
0x6f: {  	s30 =	sadd.s32 $0x100, s26  }
0x70: {  	[tilespmem:s19], [sflag:$0x3] =	stream.indirect.gather [spmem:s3], $0x10, s30, s16, $0xb8;
	[tilespmem:$0xBF00] =	vst v63  }
0x71: {  	s31 =	sadd.s32 $0x180, s26  }
0x72: {  	[tilespmem:s20], [sflag:$0x4] =	stream.indirect.gather [spmem:s3], $0x10, s31, s16, $0xb8;
	[tilespmem:$0xBF00] =	vst v63  }
0x73: {  	_ =	swait.ge [sflag:s21], $0x800  }
0x74: {  	[sflag:s21] =	ssyncset.done $0x0  }
0x75: {  	s29 =	sadd.s32 $0x2800, s26;
	[sflag:s21] =	ssyncadd.s32 $0xFFFFF800  }
0x76: {  	[spmem:s2] =	stream.indirect.scatter.add.f32 [tilespmem:s17], [sflag:$0x5], $0x10, s29, s16, $0xb8;
	[tilespmem:$0xBF00] =	vst v63  }
0x77: {  	_ =	swait.ge [sflag:s13], $0x800  }
0x78: {  	[sflag:s13] =	ssyncset.done $0x0  }
0x79: {  	[sflag:s13] =	ssyncadd.s32 $0xFFFFF800  }
0x7a: {  	_ =	swait.ge [sflag:s22], $0x800  }
0x7b: {  	[sflag:s22] =	ssyncset.done $0x0  }
0x7c: {  	s30 =	sadd.s32 $0x2880, s26;
	[sflag:s22] =	ssyncadd.s32 $0xFFFFF800  }
0x7d: {  	[spmem:s2] =	stream.indirect.scatter.add.f32 [tilespmem:s18], [sflag:$0x5], $0x10, s30, s16, $0xb8;
	[tilespmem:$0xBF00] =	vst v63  }
0x7e: {  	_ =	swait.ge [sflag:s13], $0x800  }
0x7f: {  	[sflag:s13] =	ssyncset.done $0x0  }
0x80: {  	[sflag:s13] =	ssyncadd.s32 $0xFFFFF800  }
0x81: {  	_ =	swait.ge [sflag:s23], $0x800  }
0x82: {  	[sflag:s23] =	ssyncset.done $0x0  }
0x83: {  	s31 =	sadd.s32 $0x2900, s26;
	[sflag:s23] =	ssyncadd.s32 $0xFFFFF800  }
0x84: {  	[spmem:s2] =	stream.indirect.scatter.add.f32 [tilespmem:s19], [sflag:$0x5], $0x10, s31, s16, $0xb8;
	[tilespmem:$0xBF00] =	vst v63  }
0x85: {  	_ =	swait.ge [sflag:s13], $0x800  }
0x86: {  	[sflag:s13] =	ssyncset.done $0x0  }
0x87: {  	[sflag:s13] =	ssyncadd.s32 $0xFFFFF800  }
0x88: {  	_ =	swait.ge [sflag:s24], $0x800  }
0x89: {  	[sflag:s24] =	ssyncset.done $0x0  }
0x8a: {  	s26 =	sadd.s32 $0x2980, s26;
	[sflag:s24] =	ssyncadd.s32 $0xFFFFF800  }
0x8b: {  	[spmem:s2] =	stream.indirect.scatter.add.f32 [tilespmem:s20], [sflag:$0x5], $0x10, s26, s16, $0xb8;
	[tilespmem:$0xBF00] =	vst v63  }
0x8c: {  	_ =	swait.ge [sflag:s13], $0x800  }
0x8d: {  	s25 =	sadd.s32 $0x1, s25;
	[sflag:s13] =	ssyncset.done $0x0  }
0x8e: {  	p0 =	sne.s32 s25, s11;
	[sflag:s13] =	ssyncadd.s32 $0xFFFFF800  }
.Ltmp1:
0x8f: {  	[bflag:$0x0] =	sbarrier.arrive $0xFFFF;
	(pc) =	sbr.rel @p0 .LBB2_1-.Ltmp1, $4  }
0x90: {  	[hbm:s10], [sflag:s6] =	dma.local [spmem:s12], $0x4F0  }
0x91: {  	_ =	swait.ge [sflag:s13], $0x4F0  }
0x92: {  	[sflag:s13] =	ssyncset.done $0x0  }
0x93: {  	[sflag:s13] =	ssyncadd.s32 $0xFFFFFB10  }
0x94: {  	_ =	sfence.sel $0x180000  }
0x95: {  	[bflag:$0x0] =	sbarrier.arrive $0xFFFF  }
0x96: {  	p0 =	sne.s32 s1, $0x0;
	_ =	strace $0x9000004A  }
0x97: {  	s0 =	sadd.s32 @!p0 $0x100000, s0;
	[bflag:$0x2] =	sbarrier.arrive $0xFFFF  }
0x98: {  	[sflag:s0] =	ssyncadd.tile.s32 @!p0 $0x1;
	_ =	shalt  }
.Lfunc_end2:
_tile_overlayer_lowered:
.L_overlay_start_2:
0x99: {  	(tag) =	ssettag $0x2  }
0x9a: {  	s0 =	rddreg [dreg:$0x0];
	s2 =	stileid.u32  }
0x9b: {  	s1 =	rddreg [dreg:$0x1];
	p0 =	sne.s32 s2, $0x0  }
0x9c: {  	s3 =	rddreg [dreg:$0x2];
	[bflag:$0x3] =	sbarrier.arrive $0xFFFF;
	s2 =	simm.s32 @!p0 $0x1C05  }
0x9d: {  	[timem:s3], [sflag:s2] =	dma.local @!p0 [hbm:s0], s1  }
0x9e: {  	s0 =	simm.s32 @!p0 $0x5  }
0x9f: {  	_ =	swait.ge @!p0 [sflag:s0], s1  }
0xa0: {  	s1 =	ssub.s32 @!p0 $0x0, s1;
	[sflag:s0] =	ssyncset.done @!p0 $0x0  }
0xa1: {  	[sflag:s0] =	ssyncadd.s32 @!p0 s1  }
0xa2: {  	[bflag:$0x3] =	sbarrier.arrive $0xFFFF  }
0xa3: {  	_ =	shalt  }

// kernel: kernel.16.cloned.1.call-start
scs
__scs_entry_jumppad:
0x0: {  	(pc) =	sbr.rel $0x88, $3  }
0x1: {  	(tag) =	ssettag $0x0;
	lr =	simm.s32 $0x1  }
0x2: {  	[smem:$0x3F98] =	sst lr;
	_ =	strace $0xD0000000  }
0x3: {  	_ = 	snop  }
0x4: {  	_ = 	snop  }
0x5: {  	_ = 	snop  }
0x6: {  	_ = 	snop  }
0x7: {  	_ = 	snop  }
__scs_overlays_trampoline_lowered:
0x8: {  	[smem:$0x3FA7] =	sst s0  }
0x9: {  	[smem:$0x3FA8] =	sst s1  }
0xa: {  	[smem:$0x3FA9] =	sst s2  }
0xb: {  	[smem:$0x3FAA] =	sst s3  }
0xc: {  	[smem:$0x3FAB] =	sst s4  }
0xd: {  	[smem:$0x3FAC] =	sst s5  }
0xe: {  	[smem:$0x3FAD] =	sst s6  }
0xf: {  	[smem:$0x3FAE] =	sst s7  }
0x10: {  	[smem:$0x3FAF] =	sst s8  }
0x11: {  	[smem:$0x3FB0] =	sst s9;
	s0 =	simm.s32 @!p0 $0x0  }
0x12: {  	s1 =	sld [smem:$0x3F96];
	s0 =	simm.s32 @p0 $0x1  }
0x13: {  	[smem:$0x3FB1] =	sst s0;
	s0 =	simm.s32 @!p1 $0x0  }
0x14: {  	s2 =	sld [smem:$0x3F95];
	s0 =	simm.s32 @p1 $0x1  }
0x15: {  	[smem:$0x3FB2] =	sst s0;
	s0 =	simm.s32 @!p2 $0x0  }
0x16: {  	s3 =	sld [smem:$0x3FDB];
	s0 =	simm.s32 @p2 $0x1  }
0x17: {  	s4 =	simm.s32 $0x1BF5;
	[smem:$0x3FB4] =	sst s0  }
0x18: {  	s0 =	sld [smem:$0x3F97];
	_ =	swait.ge [sflag:s4], $0x0  }
0x19: {  	s7 =	sld [smem:$0x3F98]  }
0x1a: {  	s8 =	sadd.s32 $0xFFFFE003, lr  }
0x1b: {  	s9 =	sadd.s32 $0xFFFFFEF7, lr;
	s5 =	simm.s32 $0xFFFFFFFF;
	p2 =	slt.u32 s8, $0xFFFFF086  }
0x1c: {  	p1 =	slt.u32 s9, $0xF7A;
	s5 =	simm.s32 @!p2 $0x0  }
0x1d: {  	s5 =	simm.s32 @p1 $0x1;
	p0 =	seq.s32 s7, s2  }
0x1e: {  	s7 =	smul.u32 @!p0 $0xF7A, s2;
	p2 =	seq.s32 @!p0 s5, $0x0  }
0x1f: {  	s9 =	smul.u32 $0xF7A, s1;
	s8 =	simm.s32 @!p0 $0x1BF5;
	p2 =	por !p2, p0  }
0x20: {  	[sflag:s8] =	ssyncset.s32 @!p0 $0xFFFFF086;
	s6 =	sadd.s32 @!p0 s3, s7;
	s7 =	simm.s32 @!p0 $0x108  }
0x21: {  	s3 =	sadd.s32 s3, s9;
	s6 =	sadd.s32 @!p0 $0x88, s6;
	s7 =	simm.s32 @p2 $0x1082  }
0x22: {  	[simem:s7], [sflag:s8] =	dma.local @!p0 [hbm:s6], $0xF7A  }
0x23: {  	s9 =	sor.u32 $0xD0000000, s2;
	s6 =	simm.s32 $0x108;
	_ =	swait.ge @!p0 [sflag:s8], $0x0  }
0x24: {  	s3 =	sadd.s32 $0x88, s3;
	s6 =	simm.s32 @!p1 $0x1082;
	[sflag:s4] =	ssyncset.s32 $0xFFFFF086  }
0x25: {  	[simem:s6], [sflag:s4] =	dma.local [hbm:s3], $0xF7A  }
0x26: {  	[smem:$0x3F98] =	sst s1;
	(tag) =	ssettag s2;
	_ =	strace s9  }
0x27: {  	s1 =	sld [smem:$0x3FA8]  }
0x28: {  	s2 =	sld [smem:$0x3FA9]  }
0x29: {  	s4 =	sld [smem:$0x3FAB]  }
0x2a: {  	p0 =	seq.s32 s5, $0x0;
	s5 =	sld [smem:$0x3FAC]  }
0x2b: {  	s6 =	sld [smem:$0x3FAD]  }
0x2c: {  	s7 =	sld [smem:$0x3FAE]  }
0x2d: {  	s3 =	simm.s32 $0x108;
	s8 =	sld [smem:$0x3FAF]  }
0x2e: {  	s3 =	simm.s32 @!p0 $0x1082;
	s9 =	sld [smem:$0x3FB0]  }
0x2f: {  	lr =	sadd.s32 s0, s3;
	s0 =	sld [smem:$0x3FA7]  }
0x30: {  	s3 =	sld [smem:$0x3FAA]  }
0x31: {  	[smem:$0x3FB3] =	sst s10  }
0x32: {  	s10 =	sld [smem:$0x3FB1];
	_ =	sdelay $0x3  }
0x33: {  	p0 =	seq.s32 s10, $0x1;
	s10 =	sld [smem:$0x3FB3];
	_ =	sdelay $0x3  }
0x34: {  	[smem:$0x3FB3] =	sst s10  }
0x35: {  	s10 =	sld [smem:$0x3FB2];
	_ =	sdelay $0x3  }
0x36: {  	p1 =	seq.s32 s10, $0x1;
	s10 =	sld [smem:$0x3FB3];
	_ =	sdelay $0x3  }
0x37: {  	[smem:$0x3FB3] =	sst s10  }
0x38: {  	s10 =	sld [smem:$0x3FB4]  }
0x39: {  	_ = 	snop;
	(pc) =	sbr.ind lr, $3  }
0x3a: {  	_ = 	snop  }
0x3b: {  	_ = 	snop  }
0x3c: {  	p2 =	seq.s32 s10, $0x1;
	s10 =	sld [smem:$0x3FB3]  }
0x3d: {  	_ =	shalt  }
0x3e: {  	_ =	shalt  }
0x3f: {  	_ =	shalt  }
0x40: {  	_ =	shalt  }
0x41: {  	_ =	shalt  }
0x42: {  	_ =	shalt  }
0x43: {  	_ =	shalt  }
0x44: {  	_ =	shalt  }
0x45: {  	_ =	shalt  }
0x46: {  	_ =	shalt  }
0x47: {  	_ =	shalt  }
0x48: {  	_ =	shalt  }
0x49: {  	_ =	shalt  }
0x4a: {  	_ =	shalt  }
0x4b: {  	_ =	shalt  }
0x4c: {  	_ =	shalt  }
0x4d: {  	_ =	shalt  }
0x4e: {  	_ =	shalt  }
0x4f: {  	_ =	shalt  }
0x50: {  	_ =	shalt  }
0x51: {  	_ =	shalt  }
0x52: {  	_ =	shalt  }
0x53: {  	_ =	shalt  }
0x54: {  	_ =	shalt  }
0x55: {  	_ =	shalt  }
0x56: {  	_ =	shalt  }
0x57: {  	_ =	shalt  }
0x58: {  	_ =	shalt  }
0x59: {  	_ =	shalt  }
0x5a: {  	_ =	shalt  }
0x5b: {  	_ =	shalt  }
0x5c: {  	_ =	shalt  }
0x5d: {  	_ =	shalt  }
0x5e: {  	_ =	shalt  }
0x5f: {  	_ =	shalt  }
0x60: {  	_ =	shalt  }
0x61: {  	_ =	shalt  }
0x62: {  	_ =	shalt  }
0x63: {  	_ =	shalt  }
0x64: {  	_ =	shalt  }
0x65: {  	_ =	shalt  }
0x66: {  	_ =	shalt  }
0x67: {  	_ =	shalt  }
0x68: {  	_ =	shalt  }
0x69: {  	_ =	shalt  }
0x6a: {  	_ =	shalt  }
0x6b: {  	_ =	shalt  }
0x6c: {  	_ =	shalt  }
0x6d: {  	_ =	shalt  }
0x6e: {  	_ =	shalt  }
0x6f: {  	_ =	shalt  }
0x70: {  	_ =	shalt  }
0x71: {  	_ =	shalt  }
0x72: {  	_ =	shalt  }
0x73: {  	_ =	shalt  }
0x74: {  	_ =	shalt  }
0x75: {  	_ =	shalt  }
0x76: {  	_ =	shalt  }
0x77: {  	_ =	shalt  }
0x78: {  	_ =	shalt  }
0x79: {  	_ =	shalt  }
0x7a: {  	_ =	shalt  }
0x7b: {  	_ =	shalt  }
0x7c: {  	_ =	shalt  }
0x7d: {  	_ =	shalt  }
0x7e: {  	_ =	shalt  }
0x7f: {  	_ =	shalt  }
0x80: {  	_ =	shalt  }
0x81: {  	_ =	shalt  }
0x82: {  	_ =	shalt  }
0x83: {  	_ =	shalt  }
0x84: {  	_ =	shalt  }
0x85: {  	_ =	shalt  }
0x86: {  	_ =	shalt  }
0x87: {  	_ =	shalt  }
.Lfunc_end0:
.L_simem_size_0:
called_computation.2_lowered:
.L_overlay_start_0:
0x88: {  	s2 =	sld [smem:$0x3FD9]  }
0x89: {  	s3 =	sld [smem:$0x3FFE];
	_ =	sdelay $0x1  }
0x8a: {  	s1 =	srdreg.scid  }
0x8b: {  	s0 =	sand.u32 $0x1, s1  }
0x8c: {  	s16 =	sshll.u32 s0, $0xA;
	s2 =	sadd.s32 s3, s2  }
0x8d: {  	s2 =	sadd.s32 s2, s16  }
0x8e: {  	[smem:$0x3FBF] =	sst s2  }
0x8f: {  	_ = 	snop  }
0x90: {  	(tm) =	ssettm $0x1  }
0x91: {  	s17 =	sld [smem:$0x3FFB];
	_ =	sdelay $0x3  }
0x92: {  	_ =	strace s17  }
0x93: {  	s2 =	sld [smem:$0x3FFC];
	_ =	sdelay $0x3  }
0x94: {  	_ =	strace s2  }
0x95: {  	s2 =	sld [smem:$0x3FFD];
	_ =	sdelay $0x3  }
0x96: {  	_ =	strace s2  }
0x97: {  	_ =	strace $0x8FFFFFFF  }
0x98: {  	s18 =	sld [smem:$0x3FDB];
	_ =	sdelay $0x1  }
0x99: {  	s19 =	simm.s32 $_scs_section_size  }
0x9a: {  	s4 =	simm.s32 $_size__tile_overlayer_lowered;
	s5 =	simm.s32 $_tile_overlayer_lowered  }
0x9b: {  	s22 =	simm.s32 $0x1BFF;
	s21 =	sshll.u32 s5, $0x1;
	s2 =	sadd.s32 s19, s18  }
0x9c: {  	s6 =	simm.s32 $0x0;
	s20 =	sshll.u32 s4, $0x1;
	s4 =	sadd.s32 s21, s2  }
0x9d: {  	[timem:s6], [sflag:s22] =	dma.local [hbm:s4], s20  }
0x9e: {  	_ =	swait.ge [sflag:s22], s20  }
0x9f: {  	s3 =	ssub.s32 $0x0, s20;
	[sflag:s22] =	ssyncset.done $0x0  }
0xa0: {  	[sflag:s22] =	ssyncadd.s32 s3;
	_ =	sdelay $0x1  }
0xa1: {  	s23 =	simm.s32 $0x1B8B  }
0xa2: {  	_ =	swait.ge [sflag:s23], $0x1  }
0xa3: {  	[sflag:s23] =	ssyncset.done $0x0  }
0xa4: {  	s25 =	simm.s32 $0x1B8E;
	s24 =	sld [smem:$0x3FFE];
	[sflag:s23] =	ssyncadd.s32 $0xFFFFFFFF  }
0xa5: {  	s26 =	simm.s32 $execute0_lowered;
	[smem:$0x3FD2] =	sst s25  }
0xa6: {  	s4 =	sshll.u32 s26, $0x1;
	_ =	strace $0x8000004C;
	[dreg:$0x1] =	wrdreg $0xFFFFFFFF  }
0xa7: {  	s28 =	simm.s32 $_size_execute0_lowered;
	s2 =	sadd.s32 s2, s4;
	[dreg:$0x0] =	wrdreg $0x0  }
0xa8: {  	s4 =	sshll.u32 s28, $0x1;
	[dreg:$0x2] =	wrdreg s2  }
0xa9: {  	[dreg:$0x3] =	wrdreg s4  }
0xaa: {  	[dreg:$0x4] =	wrdreg $0xC0  }
0xab: {  	_ =	task [dreg:s6], $0x5FFFF  }
0xac: {  	[dreg:$0x1] =	wrdreg $0xFFFFFFFF  }
0xad: {  	[dreg:$0x0] =	wrdreg $0x60  }
0xae: {  	[dreg:$0x2] =	wrdreg s24  }
0xaf: {  	[dreg:$0x3] =	wrdreg $0x70000  }
0xb0: {  	[dreg:$0x4] =	wrdreg $0x97800  }
0xb1: {  	[dreg:$0x5] =	wrdreg $0x9  }
0xb2: {  	_ =	task.clear_ibuf [dreg:s6], $0x6FFFF;
	_ =	strace $0x9000004C  }
0xb3: {  	s29 =	simm.s32 $0x9;
	_ =	strace $0x8000004E  }
0xb4: {  	_ =	swait.ge [sflag:s29], $0x1  }
0xb5: {  	[sflag:s29] =	ssyncadd.s32 $0xFFFFFFFF  }
0xb6: {  	_ =	strace $0x9000004E  }
0xb7: {  	_ =	sfence  }
0xb8: {  	s30 =	sld [smem:$0x0];
	_ =	sdelay $0x2  }
0xb9: {  	s31 =	sshll.u32 s1, $0xD;
	s1 =	sshrl.u32 s1, $0x2  }
0xba: {  	s3 =	sand.u32 $0x4000, s31;
	s1 =	sadd.s32 s1, s30  }
0xbb: {  	s0 =	sor.u32 s3, s0;
	s1 =	sshll.u32 s1, $0x11  }
0xbc: {  	s0 =	sor.u32 s1, s0  }
0xbd: {  	s0 =	sadd.s32 $0x8F2B, s0  }
0xbe: {  	[sflag:s0] =	ssyncadd.remote.s32 $0x1  }
0xbf: {  	_ =	sfence.sel $0xFFFF  }
0xc0: {  	[dreg:$0x0] =	wrdreg $0xFFFFFFFF;
	(pc) =	sbr.abs _section_cstart, $3  }
0xc1: {  	[dreg:$0x1] =	wrdreg $0xFFFFFFFF  }
0xc2: {  	_ =	task.clear_ibuf [dreg:s6], $0x2FFFF;
	_ =	strace $0x9FFFFFFF  }
0xc3: {  	(tm) =	ssettm $0x7FFFFFFF  }
tec
execute0_lowered:
.L_overlay_start_1:
0x0: {  	(tag) =	ssettag $0x1  }
0x1: {  	s5 =	rddreg [dreg:$0x0]  }
0x2: {  	s2 =	rddreg [dreg:$0x1]  }
0x3: {  	s3 =	rddreg [dreg:$0x2]  }
0x4: {  	s0 =	rddreg [dreg:$0x3]  }
0x5: {  	s1 =	stileid.u32;
	s6 =	srdreg.scid  }
0x6: {  	s4 =	simm.s32 $0x0;
	s16 =	simm.s32 $0x80;
	s17 =	simm.s32 $0x5000  }
0x7: {  	s18 =	simm.s32 $0x5800;
	s19 =	simm.s32 $0x6000;
	s20 =	simm.s32 $0x6800  }
0x8: {  	s21 =	simm.s32 $0x1;
	s22 =	simm.s32 $0x2;
	s23 =	simm.s32 $0x3  }
0x9: {  	s24 =	simm.s32 $0x4;
	s25 =	simm.s32 $0x0;
	s7 =	smul.u32 $0x2780, s1  }
0xa: {  	s6 =	sand.u32 $0x1, s6;
	[smem:$0x7FF] =	sst s4;
	s8 =	sshll.u32 s1, $0x1  }
0xb: {  	s31 =	sshll.u32 s1, $0x6;
	s9 =	smul.u32 $0x27800, s6;
	_ =	strace $0x8000004D  }
0xc: {  	s8 =	sor.u32 s6, s8;
	s6 =	ssub.s32 $0x2, s6;
	s10 =	sshrl.u32 s7, $0x3  }
0xd: {  	s8 =	smul.u32 $0x500, s8;
	s11 =	sshrl.u32 s6, $0x1;
	s14 =	sadd.s32 s7, s2  }
0xe: {  	s15 =	sadd.s32 s7, s3;
	s9 =	sadd.s32 s7, s9;
	s10 =	sadd.s32 s10, s5  }
0xf: {  	s11 =	ssub.s32 s6, s11;
	s6 =	sor.u32 $0x1C05, s31;
	s9 =	sshrl.u32 s9, $0x3  }
0x10: {  	s12 =	sadd.s32 s8, s5;
	s7 =	sadd.s32 $0xC400, s10;
	s11 =	smax.u32 s11, $0x1  }
0x11: {  	s13 =	sadd.s32 s9, s5;
	s5 =	sadd.s32 $0x1DC00, s10;
	s8 =	sadd.s32 $0x13C00, s12  }
0x12: {  	s9 =	sadd.s32 $0x2400, s12;
	s12 =	sshrl.u32 s14, $0x3;
	s14 =	sshrl.u32 s15, $0x3  }
0x13: {  	s15 =	simm.s32 $0x2800;
	s10 =	sadd.s32 $0x22C00, s13;
	s13 =	simm.s32 $0x5  }
.LBB2_1:
0x14: {  	[spmem:s12], [sflag:s6] =	dma.local [hbm:s5], $0x4F0  }
0x15: {  	_ =	swait.ge [sflag:s13], $0x4F0  }
0x16: {  	[sflag:s13] =	ssyncset.done $0x0  }
0x17: {  	[sflag:s13] =	ssyncadd.s32 $0xFFFFFB10  }
0x18: {  	[spmem:s14], [sflag:s6] =	dma.local [hbm:s7], $0x4F0  }
0x19: {  	_ =	swait.ge [sflag:s13], $0x4F0  }
0x1a: {  	[sflag:s13] =	ssyncset.done $0x0  }
0x1b: {  	[sflag:s13] =	ssyncadd.s32 $0xFFFFFB10  }
0x1c: {  	[tilespmem:s4], [sflag:$0x5] =	stream.linear.gather [hbm4b:s8+s4], $0x2800, $0x38;
	[tilespmem:$0xBF00] =	vst v63  }
0x1d: {  	_ =	swait.ge [sflag:s13], $0x2800  }
0x1e: {  	[sflag:s13] =	ssyncset.done $0x0  }
0x1f: {  	[sflag:s13] =	ssyncadd.s32 $0xFFFFD800  }
0x20: {  	[tilespmem:s15], [sflag:$0x5] =	stream.linear.gather [hbm4b:s9+s4], $0x2800, $0x38;
	[tilespmem:$0xBF00] =	vst v63  }
0x21: {  	_ =	swait.ge [sflag:s13], $0x2800  }
0x22: {  	[sflag:s13] =	ssyncset.done $0x0  }
0x23: {  	[sflag:s13] =	ssyncadd.s32 $0xFFFFD800  }
0x24: {  	s26 =	simm.s32 $0x0;
	[bflag:$0x0] =	sbarrier.arrive $0xFFFF  }
0x25: {  	[tilespmem:s17], [sflag:$0x1] =	stream.indirect.gather [spmem:s3], $0x10, s26, s16, $0xb8;
	[tilespmem:$0xBF00] =	vst v63  }
0x26: {  	s31 =	simm.s32 $0x80  }
0x27: {  	[tilespmem:s18], [sflag:$0x2] =	stream.indirect.gather [spmem:s3], $0x10, s31, s16, $0xb8;
	[tilespmem:$0xBF00] =	vst v63  }
0x28: {  	s28 =	simm.s32 $0x100  }
0x29: {  	[tilespmem:s19], [sflag:$0x3] =	stream.indirect.gather [spmem:s3], $0x10, s28, s16, $0xb8;
	[tilespmem:$0xBF00] =	vst v63  }
0x2a: {  	s29 =	simm.s32 $0x180  }
0x2b: {  	[tilespmem:s20], [sflag:$0x4] =	stream.indirect.gather [spmem:s3], $0x10, s29, s16, $0xb8;
	[tilespmem:$0xBF00] =	vst v63  }
0x2c: {  	_ =	swait.ge [sflag:s21], $0x800  }
0x2d: {  	[sflag:s21] =	ssyncset.done $0x0  }
0x2e: {  	s31 =	simm.s32 $0x2800;
	[sflag:s21] =	ssyncadd.s32 $0xFFFFF800  }
0x2f: {  	[spmem:s2] =	stream.indirect.scatter.add.f32 [tilespmem:s17], [sflag:$0x5], $0x10, s31, s16, $0xb8;
	[tilespmem:$0xBF00] =	vst v63  }
0x30: {  	_ =	swait.ge [sflag:s13], $0x800  }
0x31: {  	[sflag:s13] =	ssyncset.done $0x0  }
0x32: {  	[sflag:s13] =	ssyncadd.s32 $0xFFFFF800  }
0x33: {  	_ =	swait.ge [sflag:s22], $0x800  }
0x34: {  	[sflag:s22] =	ssyncset.done $0x0  }
0x35: {  	s28 =	simm.s32 $0x2880;
	[sflag:s22] =	ssyncadd.s32 $0xFFFFF800  }
0x36: {  	[spmem:s2] =	stream.indirect.scatter.add.f32 [tilespmem:s18], [sflag:$0x5], $0x10, s28, s16, $0xb8;
	[tilespmem:$0xBF00] =	vst v63  }
0x37: {  	_ =	swait.ge [sflag:s13], $0x800  }
0x38: {  	[sflag:s13] =	ssyncset.done $0x0  }
0x39: {  	[sflag:s13] =	ssyncadd.s32 $0xFFFFF800  }
0x3a: {  	_ =	swait.ge [sflag:s23], $0x800  }
0x3b: {  	[sflag:s23] =	ssyncset.done $0x0  }
0x3c: {  	s29 =	simm.s32 $0x2900;
	[sflag:s23] =	ssyncadd.s32 $0xFFFFF800  }
0x3d: {  	[spmem:s2] =	stream.indirect.scatter.add.f32 [tilespmem:s19], [sflag:$0x5], $0x10, s29, s16, $0xb8;
	[tilespmem:$0xBF00] =	vst v63  }
0x3e: {  	_ =	swait.ge [sflag:s13], $0x800  }
0x3f: {  	[sflag:s13] =	ssyncset.done $0x0  }
0x40: {  	[sflag:s13] =	ssyncadd.s32 $0xFFFFF800  }
0x41: {  	_ =	swait.ge [sflag:s24], $0x800  }
0x42: {  	[sflag:s24] =	ssyncset.done $0x0  }
0x43: {  	s31 =	simm.s32 $0x2980;
	[sflag:s24] =	ssyncadd.s32 $0xFFFFF800  }
0x44: {  	[spmem:s2] =	stream.indirect.scatter.add.f32 [tilespmem:s20], [sflag:$0x5], $0x10, s31, s16, $0xb8;
	[tilespmem:$0xBF00] =	vst v63  }
0x45: {  	_ =	swait.ge [sflag:s13], $0x800  }
0x46: {  	s30 =	simm.s32 $0x1000;
	s26 =	simm.s32 $0x800;
	[sflag:s13] =	ssyncset.done $0x0  }
.LBB2_2:
0x47: {  	s29 =	sshra.s32 s26, $0x2  }
0x48: {  	[sflag:s13] =	ssyncadd.s32 $0xFFFFF800;
	s26 =	smov.u32 s30;
	s28 =	sadd.s32 $0x800, s30  }
0x49: {  	[tilespmem:s17], [sflag:$0x1] =	stream.indirect.gather [spmem:s3], $0x10, s29, s16, $0xb8;
	[tilespmem:$0xBF00] =	vst v63  }
0x4a: {  	p0 =	sne.s32 s30, $0x9800;
	s30 =	sadd.s32 $0x80, s29  }
0x4b: {  	[tilespmem:s18], [sflag:$0x2] =	stream.indirect.gather [spmem:s3], $0x10, s30, s16, $0xb8;
	[tilespmem:$0xBF00] =	vst v63  }
0x4c: {  	s30 =	sadd.s32 $0x100, s29  }
0x4d: {  	[tilespmem:s19], [sflag:$0x3] =	stream.indirect.gather [spmem:s3], $0x10, s30, s16, $0xb8;
	[tilespmem:$0xBF00] =	vst v63  }
0x4e: {  	s30 =	sadd.s32 $0x180, s29  }
0x4f: {  	[tilespmem:s20], [sflag:$0x4] =	stream.indirect.gather [spmem:s3], $0x10, s30, s16, $0xb8;
	[tilespmem:$0xBF00] =	vst v63  }
0x50: {  	_ =	swait.ge [sflag:s21], $0x800  }
0x51: {  	[sflag:s21] =	ssyncset.done $0x0  }
0x52: {  	s30 =	sadd.s32 $0x2800, s29;
	[sflag:s21] =	ssyncadd.s32 $0xFFFFF800  }
0x53: {  	[spmem:s2] =	stream.indirect.scatter.add.f32 [tilespmem:s17], [sflag:$0x5], $0x10, s30, s16, $0xb8;
	[tilespmem:$0xBF00] =	vst v63  }
0x54: {  	_ =	swait.ge [sflag:s13], $0x800  }
0x55: {  	[sflag:s13] =	ssyncset.done $0x0  }
0x56: {  	[sflag:s13] =	ssyncadd.s32 $0xFFFFF800  }
0x57: {  	_ =	swait.ge [sflag:s22], $0x800  }
0x58: {  	[sflag:s22] =	ssyncset.done $0x0  }
0x59: {  	s30 =	sadd.s32 $0x2880, s29;
	[sflag:s22] =	ssyncadd.s32 $0xFFFFF800  }
0x5a: {  	[spmem:s2] =	stream.indirect.scatter.add.f32 [tilespmem:s18], [sflag:$0x5], $0x10, s30, s16, $0xb8;
	[tilespmem:$0xBF00] =	vst v63  }
0x5b: {  	_ =	swait.ge [sflag:s13], $0x800  }
0x5c: {  	[sflag:s13] =	ssyncset.done $0x0  }
0x5d: {  	[sflag:s13] =	ssyncadd.s32 $0xFFFFF800  }
0x5e: {  	_ =	swait.ge [sflag:s23], $0x800  }
0x5f: {  	[sflag:s23] =	ssyncset.done $0x0  }
0x60: {  	s30 =	sadd.s32 $0x2900, s29;
	[sflag:s23] =	ssyncadd.s32 $0xFFFFF800  }
0x61: {  	[spmem:s2] =	stream.indirect.scatter.add.f32 [tilespmem:s19], [sflag:$0x5], $0x10, s30, s16, $0xb8;
	[tilespmem:$0xBF00] =	vst v63  }
0x62: {  	_ =	swait.ge [sflag:s13], $0x800  }
0x63: {  	[sflag:s13] =	ssyncset.done $0x0  }
0x64: {  	[sflag:s13] =	ssyncadd.s32 $0xFFFFF800  }
0x65: {  	_ =	swait.ge [sflag:s24], $0x800  }
.Ltmp0:
0x66: {  	[sflag:s24] =	ssyncset.done $0x0;
	(pc) =	sbr.rel @p0 .LBB2_2-.Ltmp0, $4  }
0x67: {  	s29 =	sadd.s32 $0x2980, s29;
	[sflag:s24] =	ssyncadd.s32 $0xFFFFF800  }
0x68: {  	[spmem:s2] =	stream.indirect.scatter.add.f32 [tilespmem:s20], [sflag:$0x5], $0x10, s29, s16, $0xb8;
	[tilespmem:$0xBF00] =	vst v63  }
0x69: {  	_ =	swait.ge [sflag:s13], $0x800  }
0x6a: {  	s30 =	smov.u32 s28;
	[sflag:s13] =	ssyncset.done $0x0  }
0x6b: {  	s26 =	sshra.s32 s26, $0x2;
	[sflag:s13] =	ssyncadd.s32 $0xFFFFF800  }
0x6c: {  	[tilespmem:s17], [sflag:$0x1] =	stream.indirect.gather [spmem:s3], $0x10, s26, s16, $0xb8;
	[tilespmem:$0xBF00] =	vst v63  }
0x6d: {  	s28 =	sadd.s32 $0x80, s26  }
0x6e: {  	[tilespmem:s18], [sflag:$0x2] =	stream.indirect.gather [spmem:s3], $0x10, s28, s16, $0xb8;
	[tilespmem:$0xBF00] =	vst v63  }
0x6f: {  	s30 =	sadd.s32 $0x100, s26  }
0x70: {  	[tilespmem:s19], [sflag:$0x3] =	stream.indirect.gather [spmem:s3], $0x10, s30, s16, $0xb8;
	[tilespmem:$0xBF00] =	vst v63  }
0x71: {  	s31 =	sadd.s32 $0x180, s26  }
0x72: {  	[tilespmem:s20], [sflag:$0x4] =	stream.indirect.gather [spmem:s3], $0x10, s31, s16, $0xb8;
	[tilespmem:$0xBF00] =	vst v63  }
0x73: {  	_ =	swait.ge [sflag:s21], $0x800  }
0x74: {  	[sflag:s21] =	ssyncset.done $0x0  }
0x75: {  	s29 =	sadd.s32 $0x2800, s26;
	[sflag:s21] =	ssyncadd.s32 $0xFFFFF800  }
0x76: {  	[spmem:s2] =	stream.indirect.scatter.add.f32 [tilespmem:s17], [sflag:$0x5], $0x10, s29, s16, $0xb8;
	[tilespmem:$0xBF00] =	vst v63  }
0x77: {  	_ =	swait.ge [sflag:s13], $0x800  }
0x78: {  	[sflag:s13] =	ssyncset.done $0x0  }
0x79: {  	[sflag:s13] =	ssyncadd.s32 $0xFFFFF800  }
0x7a: {  	_ =	swait.ge [sflag:s22], $0x800  }
0x7b: {  	[sflag:s22] =	ssyncset.done $0x0  }
0x7c: {  	s30 =	sadd.s32 $0x2880, s26;
	[sflag:s22] =	ssyncadd.s32 $0xFFFFF800  }
0x7d: {  	[spmem:s2] =	stream.indirect.scatter.add.f32 [tilespmem:s18], [sflag:$0x5], $0x10, s30, s16, $0xb8;
	[tilespmem:$0xBF00] =	vst v63  }
0x7e: {  	_ =	swait.ge [sflag:s13], $0x800  }
0x7f: {  	[sflag:s13] =	ssyncset.done $0x0  }
0x80: {  	[sflag:s13] =	ssyncadd.s32 $0xFFFFF800  }
0x81: {  	_ =	swait.ge [sflag:s23], $0x800  }
0x82: {  	[sflag:s23] =	ssyncset.done $0x0  }
0x83: {  	s31 =	sadd.s32 $0x2900, s26;
	[sflag:s23] =	ssyncadd.s32 $0xFFFFF800  }
0x84: {  	[spmem:s2] =	stream.indirect.scatter.add.f32 [tilespmem:s19], [sflag:$0x5], $0x10, s31, s16, $0xb8;
	[tilespmem:$0xBF00] =	vst v63  }
0x85: {  	_ =	swait.ge [sflag:s13], $0x800  }
0x86: {  	[sflag:s13] =	ssyncset.done $0x0  }
0x87: {  	[sflag:s13] =	ssyncadd.s32 $0xFFFFF800  }
0x88: {  	_ =	swait.ge [sflag:s24], $0x800  }
0x89: {  	[sflag:s24] =	ssyncset.done $0x0  }
0x8a: {  	s26 =	sadd.s32 $0x2980, s26;
	[sflag:s24] =	ssyncadd.s32 $0xFFFFF800  }
0x8b: {  	[spmem:s2] =	stream.indirect.scatter.add.f32 [tilespmem:s20], [sflag:$0x5], $0x10, s26, s16, $0xb8;
	[tilespmem:$0xBF00] =	vst v63  }
0x8c: {  	_ =	swait.ge [sflag:s13], $0x800  }
0x8d: {  	s25 =	sadd.s32 $0x1, s25;
	[sflag:s13] =	ssyncset.done $0x0  }
0x8e: {  	p0 =	sne.s32 s25, s11;
	[sflag:s13] =	ssyncadd.s32 $0xFFFFF800  }
.Ltmp1:
0x8f: {  	[bflag:$0x0] =	sbarrier.arrive $0xFFFF;
	(pc) =	sbr.rel @p0 .LBB2_1-.Ltmp1, $4  }
0x90: {  	[hbm:s10], [sflag:s6] =	dma.local [spmem:s12], $0x4F0  }
0x91: {  	_ =	swait.ge [sflag:s13], $0x4F0  }
0x92: {  	[sflag:s13] =	ssyncset.done $0x0  }
0x93: {  	[sflag:s13] =	ssyncadd.s32 $0xFFFFFB10  }
0x94: {  	_ =	sfence.sel $0x180000  }
0x95: {  	[bflag:$0x0] =	sbarrier.arrive $0xFFFF  }
0x96: {  	p0 =	sne.s32 s1, $0x0;
	_ =	strace $0x9000004D  }
0x97: {  	s0 =	sadd.s32 @!p0 $0x100000, s0;
	[bflag:$0x2] =	sbarrier.arrive $0xFFFF  }
0x98: {  	[sflag:s0] =	ssyncadd.tile.s32 @!p0 $0x1;
	_ =	shalt  }
.Lfunc_end2:
_tile_overlayer_lowered:
.L_overlay_start_2:
0x99: {  	(tag) =	ssettag $0x2  }
0x9a: {  	s0 =	rddreg [dreg:$0x0];
	s2 =	stileid.u32  }
0x9b: {  	s1 =	rddreg [dreg:$0x1];
	p0 =	sne.s32 s2, $0x0  }
0x9c: {  	s3 =	rddreg [dreg:$0x2];
	[bflag:$0x3] =	sbarrier.arrive $0xFFFF;
	s2 =	simm.s32 @!p0 $0x1C05  }
0x9d: {  	[timem:s3], [sflag:s2] =	dma.local @!p0 [hbm:s0], s1  }
0x9e: {  	s0 =	simm.s32 @!p0 $0x5  }
0x9f: {  	_ =	swait.ge @!p0 [sflag:s0], s1  }
0xa0: {  	s1 =	ssub.s32 @!p0 $0x0, s1;
	[sflag:s0] =	ssyncset.done @!p0 $0x0  }
0xa1: {  	[sflag:s0] =	ssyncadd.s32 @!p0 s1  }
0xa2: {  	[bflag:$0x3] =	sbarrier.arrive $0xFFFF  }
0xa3: {  	_ =	shalt  }

// kernel: kernel.19.cloned.1.call-start
scs
__scs_entry_jumppad:
0x0: {  	(pc) =	sbr.rel $0x88, $3  }
0x1: {  	(tag) =	ssettag $0x0;
	lr =	simm.s32 $0x1  }
0x2: {  	[smem:$0x3F98] =	sst lr;
	_ =	strace $0xD0000000  }
0x3: {  	_ = 	snop  }
0x4: {  	_ = 	snop  }
0x5: {  	_ = 	snop  }
0x6: {  	_ = 	snop  }
0x7: {  	_ = 	snop  }
__scs_overlays_trampoline_lowered:
0x8: {  	[smem:$0x3FA7] =	sst s0  }
0x9: {  	[smem:$0x3FA8] =	sst s1  }
0xa: {  	[smem:$0x3FA9] =	sst s2  }
0xb: {  	[smem:$0x3FAA] =	sst s3  }
0xc: {  	[smem:$0x3FAB] =	sst s4  }
0xd: {  	[smem:$0x3FAC] =	sst s5  }
0xe: {  	[smem:$0x3FAD] =	sst s6  }
0xf: {  	[smem:$0x3FAE] =	sst s7  }
0x10: {  	[smem:$0x3FAF] =	sst s8  }
0x11: {  	[smem:$0x3FB0] =	sst s9;
	s0 =	simm.s32 @!p0 $0x0  }
0x12: {  	s1 =	sld [smem:$0x3F96];
	s0 =	simm.s32 @p0 $0x1  }
0x13: {  	[smem:$0x3FB1] =	sst s0;
	s0 =	simm.s32 @!p1 $0x0  }
0x14: {  	s2 =	sld [smem:$0x3F95];
	s0 =	simm.s32 @p1 $0x1  }
0x15: {  	[smem:$0x3FB2] =	sst s0;
	s0 =	simm.s32 @!p2 $0x0  }
0x16: {  	s3 =	sld [smem:$0x3FDB];
	s0 =	simm.s32 @p2 $0x1  }
0x17: {  	s4 =	simm.s32 $0x1BF5;
	[smem:$0x3FB4] =	sst s0  }
0x18: {  	s0 =	sld [smem:$0x3F97];
	_ =	swait.ge [sflag:s4], $0x0  }
0x19: {  	s7 =	sld [smem:$0x3F98]  }
0x1a: {  	s8 =	sadd.s32 $0xFFFFE003, lr  }
0x1b: {  	s9 =	sadd.s32 $0xFFFFFEF7, lr;
	s5 =	simm.s32 $0xFFFFFFFF;
	p2 =	slt.u32 s8, $0xFFFFF086  }
0x1c: {  	p1 =	slt.u32 s9, $0xF7A;
	s5 =	simm.s32 @!p2 $0x0  }
0x1d: {  	s5 =	simm.s32 @p1 $0x1;
	p0 =	seq.s32 s7, s2  }
0x1e: {  	s7 =	smul.u32 @!p0 $0xF7A, s2;
	p2 =	seq.s32 @!p0 s5, $0x0  }
0x1f: {  	s9 =	smul.u32 $0xF7A, s1;
	s8 =	simm.s32 @!p0 $0x1BF5;
	p2 =	por !p2, p0  }
0x20: {  	[sflag:s8] =	ssyncset.s32 @!p0 $0xFFFFF086;
	s6 =	sadd.s32 @!p0 s3, s7;
	s7 =	simm.s32 @!p0 $0x108  }
0x21: {  	s3 =	sadd.s32 s3, s9;
	s6 =	sadd.s32 @!p0 $0x88, s6;
	s7 =	simm.s32 @p2 $0x1082  }
0x22: {  	[simem:s7], [sflag:s8] =	dma.local @!p0 [hbm:s6], $0xF7A  }
0x23: {  	s9 =	sor.u32 $0xD0000000, s2;
	s6 =	simm.s32 $0x108;
	_ =	swait.ge @!p0 [sflag:s8], $0x0  }
0x24: {  	s3 =	sadd.s32 $0x88, s3;
	s6 =	simm.s32 @!p1 $0x1082;
	[sflag:s4] =	ssyncset.s32 $0xFFFFF086  }
0x25: {  	[simem:s6], [sflag:s4] =	dma.local [hbm:s3], $0xF7A  }
0x26: {  	[smem:$0x3F98] =	sst s1;
	(tag) =	ssettag s2;
	_ =	strace s9  }
0x27: {  	s1 =	sld [smem:$0x3FA8]  }
0x28: {  	s2 =	sld [smem:$0x3FA9]  }
0x29: {  	s4 =	sld [smem:$0x3FAB]  }
0x2a: {  	p0 =	seq.s32 s5, $0x0;
	s5 =	sld [smem:$0x3FAC]  }
0x2b: {  	s6 =	sld [smem:$0x3FAD]  }
0x2c: {  	s7 =	sld [smem:$0x3FAE]  }
0x2d: {  	s3 =	simm.s32 $0x108;
	s8 =	sld [smem:$0x3FAF]  }
0x2e: {  	s3 =	simm.s32 @!p0 $0x1082;
	s9 =	sld [smem:$0x3FB0]  }
0x2f: {  	lr =	sadd.s32 s0, s3;
	s0 =	sld [smem:$0x3FA7]  }
0x30: {  	s3 =	sld [smem:$0x3FAA]  }
0x31: {  	[smem:$0x3FB3] =	sst s10  }
0x32: {  	s10 =	sld [smem:$0x3FB1];
	_ =	sdelay $0x3  }
0x33: {  	p0 =	seq.s32 s10, $0x1;
	s10 =	sld [smem:$0x3FB3];
	_ =	sdelay $0x3  }
0x34: {  	[smem:$0x3FB3] =	sst s10  }
0x35: {  	s10 =	sld [smem:$0x3FB2];
	_ =	sdelay $0x3  }
0x36: {  	p1 =	seq.s32 s10, $0x1;
	s10 =	sld [smem:$0x3FB3];
	_ =	sdelay $0x3  }
0x37: {  	[smem:$0x3FB3] =	sst s10  }
0x38: {  	s10 =	sld [smem:$0x3FB4]  }
0x39: {  	_ = 	snop;
	(pc) =	sbr.ind lr, $3  }
0x3a: {  	_ = 	snop  }
0x3b: {  	_ = 	snop  }
0x3c: {  	p2 =	seq.s32 s10, $0x1;
	s10 =	sld [smem:$0x3FB3]  }
0x3d: {  	_ =	shalt  }
0x3e: {  	_ =	shalt  }
0x3f: {  	_ =	shalt  }
0x40: {  	_ =	shalt  }
0x41: {  	_ =	shalt  }
0x42: {  	_ =	shalt  }
0x43: {  	_ =	shalt  }
0x44: {  	_ =	shalt  }
0x45: {  	_ =	shalt  }
0x46: {  	_ =	shalt  }
0x47: {  	_ =	shalt  }
0x48: {  	_ =	shalt  }
0x49: {  	_ =	shalt  }
0x4a: {  	_ =	shalt  }
0x4b: {  	_ =	shalt  }
0x4c: {  	_ =	shalt  }
0x4d: {  	_ =	shalt  }
0x4e: {  	_ =	shalt  }
0x4f: {  	_ =	shalt  }
0x50: {  	_ =	shalt  }
0x51: {  	_ =	shalt  }
0x52: {  	_ =	shalt  }
0x53: {  	_ =	shalt  }
0x54: {  	_ =	shalt  }
0x55: {  	_ =	shalt  }
0x56: {  	_ =	shalt  }
0x57: {  	_ =	shalt  }
0x58: {  	_ =	shalt  }
0x59: {  	_ =	shalt  }
0x5a: {  	_ =	shalt  }
0x5b: {  	_ =	shalt  }
0x5c: {  	_ =	shalt  }
0x5d: {  	_ =	shalt  }
0x5e: {  	_ =	shalt  }
0x5f: {  	_ =	shalt  }
0x60: {  	_ =	shalt  }
0x61: {  	_ =	shalt  }
0x62: {  	_ =	shalt  }
0x63: {  	_ =	shalt  }
0x64: {  	_ =	shalt  }
0x65: {  	_ =	shalt  }
0x66: {  	_ =	shalt  }
0x67: {  	_ =	shalt  }
0x68: {  	_ =	shalt  }
0x69: {  	_ =	shalt  }
0x6a: {  	_ =	shalt  }
0x6b: {  	_ =	shalt  }
0x6c: {  	_ =	shalt  }
0x6d: {  	_ =	shalt  }
0x6e: {  	_ =	shalt  }
0x6f: {  	_ =	shalt  }
0x70: {  	_ =	shalt  }
0x71: {  	_ =	shalt  }
0x72: {  	_ =	shalt  }
0x73: {  	_ =	shalt  }
0x74: {  	_ =	shalt  }
0x75: {  	_ =	shalt  }
0x76: {  	_ =	shalt  }
0x77: {  	_ =	shalt  }
0x78: {  	_ =	shalt  }
0x79: {  	_ =	shalt  }
0x7a: {  	_ =	shalt  }
0x7b: {  	_ =	shalt  }
0x7c: {  	_ =	shalt  }
0x7d: {  	_ =	shalt  }
0x7e: {  	_ =	shalt  }
0x7f: {  	_ =	shalt  }
0x80: {  	_ =	shalt  }
0x81: {  	_ =	shalt  }
0x82: {  	_ =	shalt  }
0x83: {  	_ =	shalt  }
0x84: {  	_ =	shalt  }
0x85: {  	_ =	shalt  }
0x86: {  	_ =	shalt  }
0x87: {  	_ =	shalt  }
.Lfunc_end0:
.L_simem_size_0:
called_computation.3_lowered:
.L_overlay_start_0:
0x88: {  	s2 =	sld [smem:$0x3FD9]  }
0x89: {  	s3 =	sld [smem:$0x3FFE];
	_ =	sdelay $0x1  }
0x8a: {  	s1 =	srdreg.scid  }
0x8b: {  	s0 =	sand.u32 $0x1, s1  }
0x8c: {  	s16 =	sshll.u32 s0, $0xA;
	s2 =	sadd.s32 s3, s2  }
0x8d: {  	s2 =	sadd.s32 s2, s16  }
0x8e: {  	[smem:$0x3FBF] =	sst s2  }
0x8f: {  	_ = 	snop  }
0x90: {  	(tm) =	ssettm $0x1  }
0x91: {  	s17 =	sld [smem:$0x3FFB];
	_ =	sdelay $0x3  }
0x92: {  	_ =	strace s17  }
0x93: {  	s2 =	sld [smem:$0x3FFC];
	_ =	sdelay $0x3  }
0x94: {  	_ =	strace s2  }
0x95: {  	s2 =	sld [smem:$0x3FFD];
	_ =	sdelay $0x3  }
0x96: {  	_ =	strace s2  }
0x97: {  	_ =	strace $0x8FFFFFFF  }
0x98: {  	s18 =	sld [smem:$0x3FDB];
	_ =	sdelay $0x1  }
0x99: {  	s19 =	simm.s32 $_scs_section_size  }
0x9a: {  	s4 =	simm.s32 $_size__tile_overlayer_lowered;
	s5 =	simm.s32 $_tile_overlayer_lowered  }
0x9b: {  	s22 =	simm.s32 $0x1BFF;
	s21 =	sshll.u32 s5, $0x1;
	s2 =	sadd.s32 s19, s18  }
0x9c: {  	s6 =	simm.s32 $0x0;
	s20 =	sshll.u32 s4, $0x1;
	s4 =	sadd.s32 s21, s2  }
0x9d: {  	[timem:s6], [sflag:s22] =	dma.local [hbm:s4], s20  }
0x9e: {  	_ =	swait.ge [sflag:s22], s20  }
0x9f: {  	s3 =	ssub.s32 $0x0, s20;
	[sflag:s22] =	ssyncset.done $0x0  }
0xa0: {  	[sflag:s22] =	ssyncadd.s32 s3;
	_ =	sdelay $0x1  }
0xa1: {  	s23 =	simm.s32 $0x1B8B  }
0xa2: {  	_ =	swait.ge [sflag:s23], $0x1  }
0xa3: {  	[sflag:s23] =	ssyncset.done $0x0  }
0xa4: {  	s25 =	simm.s32 $0x1B8E;
	s24 =	sld [smem:$0x3FFE];
	[sflag:s23] =	ssyncadd.s32 $0xFFFFFFFF  }
0xa5: {  	s26 =	simm.s32 $execute0_lowered;
	[smem:$0x3FD2] =	sst s25  }
0xa6: {  	s4 =	sshll.u32 s26, $0x1;
	_ =	strace $0x8000004F;
	[dreg:$0x1] =	wrdreg $0xFFFFFFFF  }
0xa7: {  	s28 =	simm.s32 $_size_execute0_lowered;
	s2 =	sadd.s32 s2, s4;
	[dreg:$0x0] =	wrdreg $0x0  }
0xa8: {  	s4 =	sshll.u32 s28, $0x1;
	[dreg:$0x2] =	wrdreg s2  }
0xa9: {  	[dreg:$0x3] =	wrdreg s4  }
0xaa: {  	[dreg:$0x4] =	wrdreg $0xC0  }
0xab: {  	_ =	task [dreg:s6], $0x5FFFF  }
0xac: {  	[dreg:$0x1] =	wrdreg $0xFFFFFFFF  }
0xad: {  	[dreg:$0x0] =	wrdreg $0x60  }
0xae: {  	[dreg:$0x2] =	wrdreg s24  }
0xaf: {  	[dreg:$0x3] =	wrdreg $0x9  }
0xb0: {  	_ =	task.clear_ibuf [dreg:s6], $0x4FFFF;
	_ =	strace $0x9000004F  }
0xb1: {  	s29 =	simm.s32 $0x9;
	_ =	strace $0x80000051  }
0xb2: {  	_ =	swait.ge [sflag:s29], $0x1  }
0xb3: {  	[sflag:s29] =	ssyncadd.s32 $0xFFFFFFFF  }
0xb4: {  	_ =	strace $0x90000051  }
0xb5: {  	_ =	sfence  }
0xb6: {  	s30 =	sld [smem:$0x0];
	_ =	sdelay $0x2  }
0xb7: {  	s31 =	sshll.u32 s1, $0xD;
	s1 =	sshrl.u32 s1, $0x2  }
0xb8: {  	s3 =	sand.u32 $0x4000, s31;
	s1 =	sadd.s32 s1, s30  }
0xb9: {  	s0 =	sor.u32 s3, s0;
	s1 =	sshll.u32 s1, $0x11  }
0xba: {  	s0 =	sor.u32 s1, s0  }
0xbb: {  	s0 =	sadd.s32 $0x8F2B, s0  }
0xbc: {  	[sflag:s0] =	ssyncadd.remote.s32 $0x1  }
0xbd: {  	_ =	sfence.sel $0xFFFF  }
0xbe: {  	[dreg:$0x0] =	wrdreg $0xFFFFFFFF;
	(pc) =	sbr.abs _section_cstart, $3  }
0xbf: {  	[dreg:$0x1] =	wrdreg $0xFFFFFFFF  }
0xc0: {  	_ =	task.clear_ibuf [dreg:s6], $0x2FFFF;
	_ =	strace $0x9FFFFFFF  }
0xc1: {  	(tm) =	ssettm $0x7FFFFFFF  }
tec
execute0_lowered:
.L_overlay_start_1:
0x0: {  	(tag) =	ssettag $0x1  }
0x1: {  	s1 =	srdreg.scid  }
0x2: {  	s0 =	stileid.u32;
	s12 =	sand.u32 $0x1, s1  }
0x3: {  	s30 =	sshll.u32 s0, $0xA;
	s2 =	sshll.u32 s12, $0x9  }
0x4: {  	s14 =	rddreg [dreg:$0x0];
	s15 =	sor.u32 s2, s30  }
0x5: {  	s1 =	rddreg [dreg:$0x1];
	s2 =	simm.s32 $0x0;
	s3 =	sshrl.u32 s15, $0x3  }
0x6: {  	[smem:$0x7FF] =	sst s2;
	s3 =	sadd.s32 s3, s14  }
0x7: {  	_ =	strace $0x80000050;
	s4 =	sadd.s32 $0x11400, s3;
	s3 =	simm.s32 $0x2  }
0x8: {  	[tilespmem:s2], [sflag:$0x2] =	stream.linear.gather [hbm4b:s4+s2], $0x200, $0x38;
	[tilespmem:$0x2200] =	vst v63  }
0x9: {  	_ =	swait.ge [sflag:s3], $0x200  }
0xa: {  	s6 =	simm.s32 $0x80;
	s7 =	simm.s32 $0x200;
	[sflag:s3] =	ssyncset.done $0x0  }
0xb: {  	s8 =	simm.s32 $0x1;
	s5 =	sadd.s32 $0x2400, s14;
	[sflag:s3] =	ssyncadd.s32 $0xFFFFFE00  }
0xc: {  	[tilespmem:s7], [sflag:$0x1] =	stream.indirect.gather [hbm4b:s5+s6], $0x10, s2, s6, $0xb8;
	[tilespmem:$0x2200] =	vst v63  }
0xd: {  	_ =	swait.ge [sflag:s8], $0x800  }
0xe: {  	[sflag:s8] =	ssyncset.done $0x0  }
0xf: {  	s9 =	simm.s32 $0xA00;
	[sflag:s8] =	ssyncadd.s32 $0xFFFFF800  }
0x10: {  	[tilespmem:s9], [sflag:$0x1] =	stream.indirect.gather [hbm4b:s5+s6], $0x10, s6, s6, $0xb8;
	[tilespmem:$0x2200] =	vst v63  }
0x11: {  	_ =	swait.ge [sflag:s8], $0x800  }
0x12: {  	s10 =	simm.s32 $0x100;
	s11 =	simm.s32 $0x1200;
	[sflag:s8] =	ssyncset.done $0x0  }
0x13: {  	s13 =	simm.s32 $0x1A00;
	s16 =	ssub.s32 $0x2, s12;
	[sflag:s8] =	ssyncadd.s32 $0xFFFFF800  }
0x14: {  	[tilespmem:s11], [sflag:$0x1] =	stream.indirect.gather [hbm4b:s5+s6], $0x10, s10, s6, $0xb8;
	[tilespmem:$0x2200] =	vst v63  }
0x15: {  	s12 =	simm.s32 $0x180;
	s17 =	sshrl.u32 s16, $0x1;
	_ =	swait.ge [sflag:s8], $0x800  }
0x16: {  	s15 =	sshll.u32 s15, $0x1;
	s31 =	ssub.s32 s16, s17;
	[sflag:s8] =	ssyncset.done $0x0  }
0x17: {  	s14 =	sadd.s32 s15, s14;
	s15 =	smax.u32 s31, $0x1;
	[sflag:s8] =	ssyncadd.s32 $0xFFFFF800  }
0x18: {  	[tilespmem:s13], [sflag:$0x1] =	stream.indirect.gather [hbm4b:s5+s6], $0x10, s12, s6, $0xb8;
	[tilespmem:$0x2200] =	vst v63  }
0x19: {  	p0 =	sne.s32 s15, $0x1;
	_ =	swait.ge [sflag:s8], $0x800  }
.Ltmp0:
0x1a: {  	[sflag:s8] =	ssyncset.done $0x0;
	(pc) =	sbr.rel @!p0 .LBB2_2-.Ltmp0, $4  }
0x1b: {  	s14 =	sadd.s32 $0x7400, s14;
	[sflag:s8] =	ssyncadd.s32 $0xFFFFF800  }
0x1c: {  	[hbm4b:s14+s2] =	stream.linear.scatter [tilespmem:s7], [sflag:$0x2], $0x2000, $0x38;
	[tilespmem:$0x2200] =	vst v63  }
0x1d: {  	_ =	swait.ge [sflag:s3], $0x2000  }
0x1e: {  	s15 =	sadd.s32 $0xFFFFFFFF, s15;
	[sflag:s3] =	ssyncset.done $0x0  }
.LBB2_1:
0x1f: {  	p0 =	sne.s32 s15, $0x1;
	s15 =	sadd.s32 $0xFFFFFFFF, s15;
	[sflag:s3] =	ssyncadd.s32 $0xFFFFE000  }
0x20: {  	[tilespmem:s2], [sflag:$0x2] =	stream.linear.gather [hbm4b:s4+s2], $0x200, $0x38;
	[tilespmem:$0x2200] =	vst v63  }
0x21: {  	_ =	swait.ge [sflag:s3], $0x200  }
0x22: {  	[sflag:s3] =	ssyncset.done $0x0  }
0x23: {  	[sflag:s3] =	ssyncadd.s32 $0xFFFFFE00  }
0x24: {  	[tilespmem:s7], [sflag:$0x1] =	stream.indirect.gather [hbm4b:s5+s6], $0x10, s2, s6, $0xb8;
	[tilespmem:$0x2200] =	vst v63  }
0x25: {  	_ =	swait.ge [sflag:s8], $0x800  }
0x26: {  	[sflag:s8] =	ssyncset.done $0x0  }
0x27: {  	[sflag:s8] =	ssyncadd.s32 $0xFFFFF800  }
0x28: {  	[tilespmem:s9], [sflag:$0x1] =	stream.indirect.gather [hbm4b:s5+s6], $0x10, s6, s6, $0xb8;
	[tilespmem:$0x2200] =	vst v63  }
0x29: {  	_ =	swait.ge [sflag:s8], $0x800  }
0x2a: {  	[sflag:s8] =	ssyncset.done $0x0  }
0x2b: {  	[sflag:s8] =	ssyncadd.s32 $0xFFFFF800  }
0x2c: {  	[tilespmem:s11], [sflag:$0x1] =	stream.indirect.gather [hbm4b:s5+s6], $0x10, s10, s6, $0xb8;
	[tilespmem:$0x2200] =	vst v63  }
0x2d: {  	_ =	swait.ge [sflag:s8], $0x800  }
0x2e: {  	[sflag:s8] =	ssyncset.done $0x0  }
0x2f: {  	[sflag:s8] =	ssyncadd.s32 $0xFFFFF800  }
0x30: {  	[tilespmem:s13], [sflag:$0x1] =	stream.indirect.gather [hbm4b:s5+s6], $0x10, s12, s6, $0xb8;
	[tilespmem:$0x2200] =	vst v63  }
0x31: {  	_ =	swait.ge [sflag:s8], $0x800  }
.Ltmp1:
0x32: {  	[sflag:s8] =	ssyncset.done $0x0;
	(pc) =	sbr.rel @p0 .LBB2_1-.Ltmp1, $4  }
0x33: {  	[sflag:s8] =	ssyncadd.s32 $0xFFFFF800  }
0x34: {  	[hbm4b:s14+s2] =	stream.linear.scatter [tilespmem:s7], [sflag:$0x2], $0x2000, $0x38;
	[tilespmem:$0x2200] =	vst v63  }
0x35: {  	_ =	swait.ge [sflag:s3], $0x2000  }
0x36: {  	[sflag:s3] =	ssyncset.done $0x0  }
.LBB2_2:
0x37: {  	[sflag:s3] =	ssyncadd.s32 $0xFFFFE000  }
0x38: {  	_ =	sfence.sel $0x180000  }
0x39: {  	[bflag:$0x0] =	sbarrier.arrive $0xFFFF  }
0x3a: {  	p0 =	sne.s32 s0, $0x0;
	_ =	strace $0x90000050  }
0x3b: {  	s0 =	sadd.s32 @!p0 $0x100000, s1;
	[bflag:$0x2] =	sbarrier.arrive $0xFFFF  }
0x3c: {  	[sflag:s0] =	ssyncadd.tile.s32 @!p0 $0x1;
	_ =	shalt  }
.Lfunc_end2:
_tile_overlayer_lowered:
.L_overlay_start_2:
0x3d: {  	(tag) =	ssettag $0x2  }
0x3e: {  	s0 =	rddreg [dreg:$0x0];
	s2 =	stileid.u32  }
0x3f: {  	s1 =	rddreg [dreg:$0x1];
	p0 =	sne.s32 s2, $0x0  }
0x40: {  	s3 =	rddreg [dreg:$0x2];
	[bflag:$0x3] =	sbarrier.arrive $0xFFFF;
	s2 =	simm.s32 @!p0 $0x1C02  }
0x41: {  	[timem:s3], [sflag:s2] =	dma.local @!p0 [hbm:s0], s1  }
0x42: {  	s0 =	simm.s32 @!p0 $0x2  }
0x43: {  	_ =	swait.ge @!p0 [sflag:s0], s1  }
0x44: {  	s1 =	ssub.s32 @!p0 $0x0, s1;
	[sflag:s0] =	ssyncset.done @!p0 $0x0  }
0x45: {  	[sflag:s0] =	ssyncadd.s32 @!p0 s1  }
0x46: {  	[bflag:$0x3] =	sbarrier.arrive $0xFFFF  }
0x47: {  	_ =	shalt  }

</sc_bundles>
